<compile_context>
chip_gen: v7x
topology: tpu7x:2x2x1
jax: 0.10.2.dev20260603
libtpu: 0.0.44.dev20260713+nightly
codegen_flags: <defaults>
</compile_context>

<pallas_src>
import functools

import jax
import jax.numpy as jnp
from jax import lax
from jax.experimental import pallas as pl
from jax.experimental.pallas import tpu as pltpu
from jax.experimental.pallas import tpu_sc as plsc

N = 10000
D = 256
E = 160000
R = 16
B = 8
S = D // B
HALF = D // 2
NC = 2
NS = 16
CH = 128
EPT = 10240
STAGES = 2
CPS = EPT // (STAGES * CH)
EPAD = NS * EPT
NACC = N + 16
RPT = 640
TN_A = 10000
TN_C = 2000


def _ytab_body(x_ref, w_ref, out_ref, bdw):
    bdw[...] = jnp.zeros((D, D), jnp.float32)
    for b in range(B):
        bdw[b * S:(b + 1) * S, b * S:(b + 1) * S] = w_ref[0, b]
    y = jnp.dot(x_ref[...], bdw[...], preferred_element_type=jnp.float32)
    out_ref[0, 0] = y[:, :HALF]
    out_ref[1, 0] = y[:, HALF:]


def _build_ytab(x, W):
    out = pl.pallas_call(
        _ytab_body,
        grid=(N // TN_A, R),
        in_specs=[
            pl.BlockSpec((TN_A, D), lambda n, r: (n, 0)),
            pl.BlockSpec((1, B, S, S), lambda n, r: (r, 0, 0, 0)),
        ],
        out_specs=pl.BlockSpec((2, 1, TN_A, HALF), lambda n, r: (0, r, n, 0)),
        out_shape=jax.ShapeDtypeStruct((2, R, N, HALF), jnp.float32),
        scratch_shapes=[pltpu.VMEM((D, D), jnp.float32)],
    )(x, W)
    return out.reshape(2 * R * N, HALF)


def _scatter_body(ytab_hbm, gidx_hbm, dst_hbm, zeros_hbm, out_hbm,
                  gi_v, di_v, rows_v, acc, sg0, sg1, ss):
    sg = (sg0, sg1)
    c = lax.axis_index("c")
    s = lax.axis_index("s")
    zbase = pl.multiple_of(s * RPT, 128)

    @pl.when(s < NS - 1)
    def _():
        pltpu.sync_copy(zeros_hbm, acc.at[pl.ds(zbase, RPT)])

    @pl.when(s == NS - 1)
    def _():
        pltpu.sync_copy(zeros_hbm.at[pl.ds(0, 400)],
                        acc.at[pl.ds(zbase, 400)])

    plsc.subcore_barrier()
    grow = c * (EPAD // CH) + s * (EPT // CH)
    drow = s * (EPT // CH)

    for h in range(STAGES):
        goff = pl.multiple_of(grow + h * CPS, 8)
        doff = pl.multiple_of(drow + h * CPS, 8)
        pltpu.sync_copy(gidx_hbm.at[pl.ds(goff, CPS)], gi_v)
        pltpu.sync_copy(dst_hbm.at[pl.ds(doff, CPS)], di_v)
        pltpu.async_copy(ytab_hbm.at[gi_v.at[0]], rows_v.at[0], sg[0])
        pltpu.async_copy(ytab_hbm.at[gi_v.at[1]], rows_v.at[1], sg[1])

        def super_round(j, carry):
            for b in range(2):
                k = 2 * j + b
                pltpu.make_async_copy(ytab_hbm.at[gi_v.at[k]],
                                      rows_v.at[b], sg[b]).wait()
                pltpu.async_copy(rows_v.at[b], acc.at[di_v.at[k]], ss,
                                 add=True).wait()

                @pl.when(j < CPS // 2 - 1)
                def _():
                    pltpu.async_copy(ytab_hbm.at[gi_v.at[k + 2]],
                                     rows_v.at[b], sg[b])
            return carry

        lax.fori_loop(0, CPS // 2, super_round, 0)
    plsc.subcore_barrier()

    @pl.when(s < NS - 1)
    def _():
        pltpu.sync_copy(acc.at[pl.ds(zbase, RPT)],
                        out_hbm.at[c, pl.ds(zbase, RPT)])

    @pl.when(s == NS - 1)
    def _():
        pltpu.sync_copy(acc.at[pl.ds(zbase, 400)],
                        out_hbm.at[c, pl.ds(zbase, 400)])


def _segment_sum_sc(ytab, gidx_cat, dst_pad, zeros):
    mesh = plsc.VectorSubcoreMesh(
        core_axis_name="c", subcore_axis_name="s", num_cores=NC,
        num_subcores=NS)
    f = functools.partial(
        pl.kernel,
        out_type=jax.ShapeDtypeStruct((2, N, HALF), jnp.float32),
        mesh=mesh,
        scratch_types=[
            pltpu.VMEM((CPS, CH), jnp.int32),
            pltpu.VMEM((CPS, CH), jnp.int32),
            pltpu.VMEM((2, CH, HALF), jnp.float32),
            pltpu.VMEM_SHARED((NACC, HALF), jnp.float32),
            pltpu.SemaphoreType.DMA,
            pltpu.SemaphoreType.DMA,
            pltpu.SemaphoreType.DMA,
        ],
    )(_scatter_body)
    return f(ytab, gidx_cat, dst_pad, zeros)


def _selfloop_body(x_ref, lw_ref, out_ref):
    out_ref[...] = jnp.dot(x_ref[...], lw_ref[...],
                           preferred_element_type=jnp.float32)


def _selfloop(x, loop_weight):
    return pl.pallas_call(
        _selfloop_body,
        grid=(N // TN_C,),
        in_specs=[
            pl.BlockSpec((TN_C, D), lambda n: (n, 0)),
            pl.BlockSpec((D, D), lambda n: (0, 0)),
        ],
        out_specs=pl.BlockSpec((TN_C, D), lambda n: (n, 0)),
        out_shape=jax.ShapeDtypeStruct((N, D), jnp.float32),
    )(x, loop_weight)


def _final_body(agg_ref, sl_ref, p_ref, out_ref):
    agg = jnp.concatenate([agg_ref[0], agg_ref[1]], axis=-1)
    mu = jnp.mean(agg, axis=-1, keepdims=True)
    var = jnp.mean((agg - mu) * (agg - mu), axis=-1, keepdims=True)
    h = (agg - mu) * lax.rsqrt(var + 1e-5) * p_ref[0] + p_ref[1]
    out_ref[...] = h + sl_ref[...]


def _finalize(agg2, selfloop, params):
    return pl.pallas_call(
        _final_body,
        grid=(N // TN_C,),
        in_specs=[
            pl.BlockSpec((2, TN_C, HALF), lambda n: (0, n, 0)),
            pl.BlockSpec((TN_C, D), lambda n: (n, 0)),
            pl.BlockSpec((2, D), lambda n: (0, 0)),
        ],
        out_specs=pl.BlockSpec((TN_C, D), lambda n: (n, 0)),
        out_shape=jax.ShapeDtypeStruct((N, D), jnp.float32),
    )(agg2, selfloop, params)


def kernel(x, edge_index, rel, W, loop_weight, h_bias, ln_gamma, ln_beta):
    src = edge_index[0]
    dst = edge_index[1]
    gidx = rel * N + src
    g0 = jnp.pad(gidx, (0, EPAD - E))
    gidx_cat = jnp.concatenate([g0, g0 + R * N])
    gidx_cat = gidx_cat.reshape(2 * EPAD // CH, CH)
    dst_pad = jnp.pad(dst, (0, EPAD - E), constant_values=N)
    dst_pad = dst_pad.reshape(EPAD // CH, CH)
    zeros = jnp.zeros((RPT, HALF), jnp.float32)
    params = jnp.stack([ln_gamma, ln_beta + h_bias])

    ytab = _build_ytab(x, W)
    agg2 = _segment_sum_sc(ytab, gidx_cat, dst_pad, zeros)
    selfloop = _selfloop(x, loop_weight)
    return _finalize(agg2, selfloop, params)

# --- scband reference (transcript-rebuilt; emitter-appended) ---
"""Pipeline reference for scband-rgcn-10385230921804 (READ-ONLY COPY).

The authoritative reference and input builder live on the scoring server;
editing this copy changes nothing except your own understanding.
"""

import jax, jax.numpy as jnp
import numpy as np

N = 10000
D = 256
E = 160000
R = 16
B = 8
S = D // B

def setup_inputs(seed: int = 0):
    key = jax.random.key(seed)
    ks = jax.random.split(key, 8)
    x = jax.random.normal(ks[0], (N, D), dtype=jnp.float32)
    edge_index = jax.random.randint(ks[1], (2, E), 0, N, dtype=jnp.int32)
    rel = jax.random.randint(ks[2], (E,), 0, R, dtype=jnp.int32)
    W = jax.random.normal(ks[3], (R, B, S, S), dtype=jnp.float32) * (1.0 / np.sqrt(S))
    loop_weight = jax.random.normal(ks[4], (D, D), dtype=jnp.float32) * (1.0 / np.sqrt(D))
    h_bias = jnp.zeros((D,), dtype=jnp.float32)
    ln_gamma = jnp.ones((D,), dtype=jnp.float32)
    ln_beta = jnp.zeros((D,), dtype=jnp.float32)
    return {"x": x, "edge_index": edge_index, "rel": rel, "W": W,
            "loop_weight": loop_weight, "h_bias": h_bias,
            "ln_gamma": ln_gamma, "ln_beta": ln_beta}

def reference(x, edge_index, rel, W, loop_weight, h_bias, ln_gamma, ln_beta):
    # One RelGraphConv layer, regularizer='bdd' (block-diagonal decomposition),
    # layer_norm=True, bias=True, self_loop=True, activation=None, dropout in eval mode (identity).
    src = edge_index[0]
    dst = edge_index[1]
    e = src.shape[0]
    n = x.shape[0]
    # bdd message: per-edge block-diagonal typed linear, computed in fixed-size
    # edge chunks to bound on-chip temporaries
    CH = 1000
    nchunks = e // CH

    def step(carry, inp):
        s_c, r_c = inp
        h_src = x[s_c].reshape(CH, B, 1, S)        # gather src feats, split into B blocks
        w_e = W[r_c]                               # [CH, B, S, S] relation-typed block weights
        m = jnp.matmul(h_src, w_e).reshape(CH, D)  # [CH, D]
        return carry, m

    _, msg = jax.lax.scan(step, None,
                          (src.reshape(nchunks, CH), rel.reshape(nchunks, CH)))
    msg = msg.reshape(e, D)                        # [E, D]
    # sum aggregation at destination nodes
    agg = jax.ops.segment_sum(msg, dst, num_segments=n)
    # layer norm (elementwise affine)
    mu = jnp.mean(agg, axis=-1, keepdims=True)
    var = jnp.var(agg, axis=-1, keepdims=True)
    h = (agg - mu) / jnp.sqrt(var + 1e-5) * ln_gamma + ln_beta
    # bias
    h = h + h_bias
    # self loop
    h = h + x @ loop_weight
    # activation=None, dropout=identity (eval)
    return h

if __name__ == "__main__":
    import jax
    _d = setup_inputs()
    print(jax.jit(kernel)(*tuple(_d.values())))

</pallas_src>

<mosaic_0001>
#map = affine_map<(d0, d1) -> (0, 0)>
#map1 = affine_map<(d0, d1) -> (0, 0, 0)>
module attributes {stable_mosaic.version = 14 : i64} {
  func.func @_scatter_body(%arg0: i32, %arg1: i32, %arg2: memref<320000x128xf32, #tpu.memory_space<hbm>>, %arg3: memref<2560x128xi32, #tpu.memory_space<hbm>>, %arg4: memref<1280x128xi32, #tpu.memory_space<hbm>>, %arg5: memref<640x128xf32, #tpu.memory_space<hbm>>, %arg6: memref<2x10000x128xf32, #tpu.memory_space<hbm>>, %arg7: memref<40x128xi32, #tpu.memory_space<vmem>>, %arg8: memref<40x128xi32, #tpu.memory_space<vmem>>, %arg9: memref<2x128x128xf32, #tpu.memory_space<vmem>>, %arg10: memref<10016x128xf32, #tpu.memory_space<vmem_shared>>, %arg11: memref<!tpu.dma_semaphore, #tpu.memory_space<semaphore_mem>>, %arg12: memref<!tpu.dma_semaphore, #tpu.memory_space<semaphore_mem>>, %arg13: memref<!tpu.dma_semaphore, #tpu.memory_space<semaphore_mem>>) attributes {dimension_semantics = [#tpu.dimension_semantics<core_parallel>, #tpu.dimension_semantics<subcore_parallel>], iteration_bounds = array<i64: 2, 16>, scalar_prefetch = 0 : i64, scratch_operands = 7 : i64, tpu.core_type = #tpu.core_type<sc_vector_subcore>, window_params = [{transform_indices = #map}, {transform_indices = #map}, {transform_indices = #map}, {transform_indices = #map}, {transform_indices = #map1}]} {
    %mul3A = arith.constant 640 : i32
    %mul3A_0 = arith.muli %arg1, %mul3A : i32
    %multiple_of3A = tpu.assume_multiple %mul3A_0, 128 : i32
    %lt3A = arith.constant 15 : i32
    %lt3A_1 = arith.cmpi slt, %arg1, %lt3A : i32
    %convert_element_type3A = arith.extui %lt3A_1 : i1 to i32
    %cond3A = arith.constant 0 : i32
    %cond3A_2 = arith.cmpi ne, %convert_element_type3A, %cond3A : i32
    scf.if %cond3A_2 {
      "tpu.region"() ({
        %run_scoped3A = tpu.sem_alloc : memref<!tpu.dma_semaphore, #tpu.memory_space<semaphore_mem>>
        %dma_start3A_94 = arith.constant 0 : i32
        %dma_start3A_95 = tpu.memref_slice %arg10[%multiple_of3A, %dma_start3A_94] : memref<10016x128xf32, #tpu.memory_space<vmem_shared>> -> memref<640x128xf32, #tpu.memory_space<vmem_shared>>
        tpu.enqueue_dma source(%arg5 : memref<640x128xf32, #tpu.memory_space<hbm>>) target(%dma_start3A_95 : memref<640x128xf32, #tpu.memory_space<vmem_shared>>) target_semaphore(%run_scoped3A : memref<!tpu.dma_semaphore, #tpu.memory_space<semaphore_mem>>)
        %dma_wait3A = arith.constant 0 : i32
        %dma_wait3A_96 = tpu.memref_slice %arg10[%multiple_of3A, %dma_wait3A] : memref<10016x128xf32, #tpu.memory_space<vmem_shared>> -> memref<640x128xf32, #tpu.memory_space<vmem_shared>>
        tpu.wait_dma2 semaphore(%run_scoped3A : memref<!tpu.dma_semaphore, #tpu.memory_space<semaphore_mem>>) src(%arg5 : memref<640x128xf32, #tpu.memory_space<hbm>>) dst(%dma_wait3A_96 : memref<640x128xf32, #tpu.memory_space<vmem_shared>>)
        tpu.yield
      }) : () -> ()
    } else {
    }
    %eq3A = arith.constant 15 : i32
    %eq3A_3 = arith.cmpi eq, %arg1, %eq3A : i32
    %convert_element_type3A_4 = arith.extui %eq3A_3 : i1 to i32
    %cond3A_5 = arith.constant 0 : i32
    %cond3A_6 = arith.cmpi ne, %convert_element_type3A_4, %cond3A_5 : i32
    scf.if %cond3A_6 {
      "tpu.region"() ({
        %run_scoped3A = tpu.sem_alloc : memref<!tpu.dma_semaphore, #tpu.memory_space<semaphore_mem>>
        %dma_start3A_94 = arith.constant 0 : i32
        %dma_start3A_95 = tpu.memref_slice %arg10[%multiple_of3A, %dma_start3A_94] : memref<10016x128xf32, #tpu.memory_space<vmem_shared>> -> memref<400x128xf32, #tpu.memory_space<vmem_shared>>
        %dma_start3A_96 = arith.constant 0 : i32
        %dma_start3A_97 = arith.constant 0 : i32
        %dma_start3A_98 = tpu.memref_slice %arg5[%dma_start3A_96, %dma_start3A_97] : memref<640x128xf32, #tpu.memory_space<hbm>> -> memref<400x128xf32, #tpu.memory_space<hbm>>
        tpu.enqueue_dma source(%dma_start3A_98 : memref<400x128xf32, #tpu.memory_space<hbm>>) target(%dma_start3A_95 : memref<400x128xf32, #tpu.memory_space<vmem_shared>>) target_semaphore(%run_scoped3A : memref<!tpu.dma_semaphore, #tpu.memory_space<semaphore_mem>>)
        %dma_wait3A = arith.constant 0 : i32
        %dma_wait3A_99 = tpu.memref_slice %arg10[%multiple_of3A, %dma_wait3A] : memref<10016x128xf32, #tpu.memory_space<vmem_shared>> -> memref<400x128xf32, #tpu.memory_space<vmem_shared>>
        %dma_wait3A_100 = arith.constant 0 : i32
        %dma_wait3A_101 = arith.constant 0 : i32
        %dma_wait3A_102 = tpu.memref_slice %arg5[%dma_wait3A_100, %dma_wait3A_101] : memref<640x128xf32, #tpu.memory_space<hbm>> -> memref<400x128xf32, #tpu.memory_space<hbm>>
        tpu.wait_dma2 semaphore(%run_scoped3A : memref<!tpu.dma_semaphore, #tpu.memory_space<semaphore_mem>>) src(%dma_wait3A_102 : memref<400x128xf32, #tpu.memory_space<hbm>>) dst(%dma_wait3A_99 : memref<400x128xf32, #tpu.memory_space<vmem_shared>>)
        tpu.yield
      }) : () -> ()
    } else {
    }
    %barrier3A = arith.constant 0 : index
    tpu.barrier barrier_id(%barrier3A)
    %mul3A_7 = arith.constant 1280 : i32
    %mul3A_8 = arith.muli %arg0, %mul3A_7 : i32
    %mul3A_9 = arith.constant 80 : i32
    %mul3A_10 = arith.muli %arg1, %mul3A_9 : i32
    %add3A = arith.addi %mul3A_8, %mul3A_10 : i32
    %mul3A_11 = arith.constant 80 : i32
    %mul3A_12 = arith.muli %arg1, %mul3A_11 : i32
    %add3A_13 = arith.constant 0 : i32
    %add3A_14 = arith.addi %add3A, %add3A_13 : i32
    %multiple_of3A_15 = tpu.assume_multiple %add3A_14, 8 : i32
    %add3A_16 = arith.constant 0 : i32
    %add3A_17 = arith.addi %mul3A_12, %add3A_16 : i32
    %multiple_of3A_18 = tpu.assume_multiple %add3A_17, 8 : i32
    "tpu.region"() ({
      %run_scoped3A = tpu.sem_alloc : memref<!tpu.dma_semaphore, #tpu.memory_space<semaphore_mem>>
      %dma_start3A_94 = arith.constant 0 : i32
      %dma_start3A_95 = tpu.memref_slice %arg3[%multiple_of3A_15, %dma_start3A_94] : memref<2560x128xi32, #tpu.memory_space<hbm>> -> memref<40x128xi32, #tpu.memory_space<hbm>>
      %dma_start3A_96 = arith.constant 0 : i32
      %dma_start3A_97 = tpu.memref_slice %arg3[%multiple_of3A_15, %dma_start3A_96] : memref<2560x128xi32, #tpu.memory_space<hbm>> -> memref<40x128xi32, #tpu.memory_space<hbm>>
      tpu.enqueue_dma source(%dma_start3A_97 : memref<40x128xi32, #tpu.memory_space<hbm>>) target(%arg7 : memref<40x128xi32, #tpu.memory_space<vmem>>) target_semaphore(%run_scoped3A : memref<!tpu.dma_semaphore, #tpu.memory_space<semaphore_mem>>)
      %dma_wait3A = arith.constant 0 : i32
      %dma_wait3A_98 = tpu.memref_slice %arg3[%multiple_of3A_15, %dma_wait3A] : memref<2560x128xi32, #tpu.memory_space<hbm>> -> memref<40x128xi32, #tpu.memory_space<hbm>>
      %dma_wait3A_99 = arith.constant 0 : i32
      %dma_wait3A_100 = tpu.memref_slice %arg3[%multiple_of3A_15, %dma_wait3A_99] : memref<2560x128xi32, #tpu.memory_space<hbm>> -> memref<40x128xi32, #tpu.memory_space<hbm>>
      tpu.wait_dma2 semaphore(%run_scoped3A : memref<!tpu.dma_semaphore, #tpu.memory_space<semaphore_mem>>) src(%dma_wait3A_100 : memref<40x128xi32, #tpu.memory_space<hbm>>) dst(%arg7 : memref<40x128xi32, #tpu.memory_space<vmem>>)
      tpu.yield
    }) : () -> ()
    "tpu.region"() ({
      %run_scoped3A = tpu.sem_alloc : memref<!tpu.dma_semaphore, #tpu.memory_space<semaphore_mem>>
      %dma_start3A_94 = arith.constant 0 : i32
      %dma_start3A_95 = tpu.memref_slice %arg4[%multiple_of3A_18, %dma_start3A_94] : memref<1280x128xi32, #tpu.memory_space<hbm>> -> memref<40x128xi32, #tpu.memory_space<hbm>>
      %dma_start3A_96 = arith.constant 0 : i32
      %dma_start3A_97 = tpu.memref_slice %arg4[%multiple_of3A_18, %dma_start3A_96] : memref<1280x128xi32, #tpu.memory_space<hbm>> -> memref<40x128xi32, #tpu.memory_space<hbm>>
      tpu.enqueue_dma source(%dma_start3A_97 : memref<40x128xi32, #tpu.memory_space<hbm>>) target(%arg8 : memref<40x128xi32, #tpu.memory_space<vmem>>) target_semaphore(%run_scoped3A : memref<!tpu.dma_semaphore, #tpu.memory_space<semaphore_mem>>)
      %dma_wait3A = arith.constant 0 : i32
      %dma_wait3A_98 = tpu.memref_slice %arg4[%multiple_of3A_18, %dma_wait3A] : memref<1280x128xi32, #tpu.memory_space<hbm>> -> memref<40x128xi32, #tpu.memory_space<hbm>>
      %dma_wait3A_99 = arith.constant 0 : i32
      %dma_wait3A_100 = tpu.memref_slice %arg4[%multiple_of3A_18, %dma_wait3A_99] : memref<1280x128xi32, #tpu.memory_space<hbm>> -> memref<40x128xi32, #tpu.memory_space<hbm>>
      tpu.wait_dma2 semaphore(%run_scoped3A : memref<!tpu.dma_semaphore, #tpu.memory_space<semaphore_mem>>) src(%dma_wait3A_100 : memref<40x128xi32, #tpu.memory_space<hbm>>) dst(%arg8 : memref<40x128xi32, #tpu.memory_space<vmem>>)
      tpu.yield
    }) : () -> ()
    %dma_start3A = arith.constant 0 : i32
    %dma_start3A_19 = arith.constant 0 : i32
    %dma_start3A_20 = arith.constant 0 : i32
    %dma_start3A_21 = arith.constant 0 : i32
    %dma_start3A_22 = tpu.memref_slice %arg9[%dma_start3A_19, %dma_start3A_20, %dma_start3A_21] : memref<2x128x128xf32, #tpu.memory_space<vmem>> -> memref<1x128x128xf32, #tpu.memory_space<vmem>>
    %dma_start3A_23 = tpu.memref_squeeze %dma_start3A_22 : memref<1x128x128xf32, #tpu.memory_space<vmem>> -> memref<128x128xf32, #tpu.memory_space<vmem>>
    %dma_start3A_24 = arith.constant 0 : i32
    %dma_start3A_25 = tpu.memref_slice %arg7[%dma_start3A, %dma_start3A_24] : memref<40x128xi32, #tpu.memory_space<vmem>> -> memref<1x128xi32, #tpu.memory_space<vmem>>
    %dma_start3A_26 = tpu.memref_squeeze %dma_start3A_25 : memref<1x128xi32, #tpu.memory_space<vmem>> -> memref<128xi32, #tpu.memory_space<vmem>>
    %dma_start3A_27 = arith.constant 0 : i32
    %dma_start3A_28 = arith.constant 0 : i32
    %dma_start3A_29 = tpu.memref_slice %arg2[%dma_start3A_27, %dma_start3A_28] : memref<320000x128xf32, #tpu.memory_space<hbm>> -> memref<320000x128xf32, #tpu.memory_space<hbm>>
    tpu.enqueue_indirect_dma source(%dma_start3A_29 : memref<320000x128xf32, #tpu.memory_space<hbm>>) target(%dma_start3A_23 : memref<128x128xf32, #tpu.memory_space<vmem>>) offsets(%dma_start3A_26 : memref<128xi32, #tpu.memory_space<vmem>>) semaphore(%arg11 : memref<!tpu.dma_semaphore, #tpu.memory_space<semaphore_mem>>)
    %dma_start3A_30 = arith.constant 1 : i32
    %dma_start3A_31 = arith.constant 1 : i32
    %dma_start3A_32 = arith.constant 0 : i32
    %dma_start3A_33 = arith.constant 0 : i32
    %dma_start3A_34 = tpu.memref_slice %arg9[%dma_start3A_31, %dma_start3A_32, %dma_start3A_33] : memref<2x128x128xf32, #tpu.memory_space<vmem>> -> memref<1x128x128xf32, #tpu.memory_space<vmem>>
    %dma_start3A_35 = tpu.memref_squeeze %dma_start3A_34 : memref<1x128x128xf32, #tpu.memory_space<vmem>> -> memref<128x128xf32, #tpu.memory_space<vmem>>
    %dma_start3A_36 = arith.constant 0 : i32
    %dma_start3A_37 = tpu.memref_slice %arg7[%dma_start3A_30, %dma_start3A_36] : memref<40x128xi32, #tpu.memory_space<vmem>> -> memref<1x128xi32, #tpu.memory_space<vmem>>
    %dma_start3A_38 = tpu.memref_squeeze %dma_start3A_37 : memref<1x128xi32, #tpu.memory_space<vmem>> -> memref<128xi32, #tpu.memory_space<vmem>>
    %dma_start3A_39 = arith.constant 0 : i32
    %dma_start3A_40 = arith.constant 0 : i32
    %dma_start3A_41 = tpu.memref_slice %arg2[%dma_start3A_39, %dma_start3A_40] : memref<320000x128xf32, #tpu.memory_space<hbm>> -> memref<320000x128xf32, #tpu.memory_space<hbm>>
    tpu.enqueue_indirect_dma source(%dma_start3A_41 : memref<320000x128xf32, #tpu.memory_space<hbm>>) target(%dma_start3A_35 : memref<128x128xf32, #tpu.memory_space<vmem>>) offsets(%dma_start3A_38 : memref<128xi32, #tpu.memory_space<vmem>>) semaphore(%arg12 : memref<!tpu.dma_semaphore, #tpu.memory_space<semaphore_mem>>)
    %scan3A = arith.constant 0 : i32
    %scan3A_42 = arith.constant 0 : i32
    %scan3A_43 = arith.constant 20 : i32
    %scan3A_44 = arith.addi %scan3A_42, %scan3A_43 : i32
    %scan3A_45 = arith.constant 1 : i32
    scf.for %scan3A_94 = %scan3A_42 to %scan3A_44 step %scan3A_45  : i32 {
      %mul3A_95 = arith.constant 2 : i32
      %mul3A_96 = arith.muli %mul3A_95, %scan3A_94 : i32
      %add3A_97 = arith.constant 0 : i32
      %add3A_98 = arith.addi %mul3A_96, %add3A_97 : i32
      %dma_wait3A = arith.constant 0 : i32
      %dma_wait3A_99 = arith.constant 0 : i32
      %dma_wait3A_100 = arith.constant 0 : i32
      %dma_wait3A_101 = tpu.memref_slice %arg9[%dma_wait3A, %dma_wait3A_99, %dma_wait3A_100] : memref<2x128x128xf32, #tpu.memory_space<vmem>> -> memref<1x128x128xf32, #tpu.memory_space<vmem>>
      %dma_wait3A_102 = tpu.memref_squeeze %dma_wait3A_101 : memref<1x128x128xf32, #tpu.memory_space<vmem>> -> memref<128x128xf32, #tpu.memory_space<vmem>>
      %dma_wait3A_103 = arith.constant 0 : i32
      %dma_wait3A_104 = tpu.memref_slice %arg7[%add3A_98, %dma_wait3A_103] : memref<40x128xi32, #tpu.memory_space<vmem>> -> memref<1x128xi32, #tpu.memory_space<vmem>>
      %dma_wait3A_105 = tpu.memref_squeeze %dma_wait3A_104 : memref<1x128xi32, #tpu.memory_space<vmem>> -> memref<128xi32, #tpu.memory_space<vmem>>
      %dma_wait3A_106 = arith.constant 0 : i32
      %dma_wait3A_107 = arith.constant 0 : i32
      %dma_wait3A_108 = tpu.memref_slice %arg2[%dma_wait3A_106, %dma_wait3A_107] : memref<320000x128xf32, #tpu.memory_space<hbm>> -> memref<320000x128xf32, #tpu.memory_space<hbm>>
      tpu.wait_indirect_dma semaphore(%arg11 : memref<!tpu.dma_semaphore, #tpu.memory_space<semaphore_mem>>) src(%dma_wait3A_108 : memref<320000x128xf32, #tpu.memory_space<hbm>>) dst(%dma_wait3A_102 : memref<128x128xf32, #tpu.memory_space<vmem>>)
      %dma_start3A_109 = arith.constant 0 : i32
      %dma_start3A_110 = arith.constant 0 : i32
      %dma_start3A_111 = arith.constant 0 : i32
      %dma_start3A_112 = tpu.memref_slice %arg9[%dma_start3A_109, %dma_start3A_110, %dma_start3A_111] : memref<2x128x128xf32, #tpu.memory_space<vmem>> -> memref<1x128x128xf32, #tpu.memory_space<vmem>>
      %dma_start3A_113 = tpu.memref_squeeze %dma_start3A_112 : memref<1x128x128xf32, #tpu.memory_space<vmem>> -> memref<128x128xf32, #tpu.memory_space<vmem>>
      %dma_start3A_114 = arith.constant 0 : i32
      %dma_start3A_115 = tpu.memref_slice %arg8[%add3A_98, %dma_start3A_114] : memref<40x128xi32, #tpu.memory_space<vmem>> -> memref<1x128xi32, #tpu.memory_space<vmem>>
      %dma_start3A_116 = tpu.memref_squeeze %dma_start3A_115 : memref<1x128xi32, #tpu.memory_space<vmem>> -> memref<128xi32, #tpu.memory_space<vmem>>
      %dma_start3A_117 = arith.constant 0 : i32
      %dma_start3A_118 = arith.constant 0 : i32
      %dma_start3A_119 = tpu.memref_slice %arg10[%dma_start3A_117, %dma_start3A_118] : memref<10016x128xf32, #tpu.memory_space<vmem_shared>> -> memref<10016x128xf32, #tpu.memory_space<vmem_shared>>
      tpu.enqueue_indirect_dma source(%dma_start3A_113 : memref<128x128xf32, #tpu.memory_space<vmem>>) target(%dma_start3A_119 : memref<10016x128xf32, #tpu.memory_space<vmem_shared>>) offsets(%dma_start3A_116 : memref<128xi32, #tpu.memory_space<vmem>>) semaphore(%arg13 : memref<!tpu.dma_semaphore, #tpu.memory_space<semaphore_mem>>) {add = true}
      %dma_wait3A_120 = arith.constant 0 : i32
      %dma_wait3A_121 = arith.constant 0 : i32
      %dma_wait3A_122 = arith.constant 0 : i32
      %dma_wait3A_123 = tpu.memref_slice %arg9[%dma_wait3A_120, %dma_wait3A_121, %dma_wait3A_122] : memref<2x128x128xf32, #tpu.memory_space<vmem>> -> memref<1x128x128xf32, #tpu.memory_space<vmem>>
      %dma_wait3A_124 = tpu.memref_squeeze %dma_wait3A_123 : memref<1x128x128xf32, #tpu.memory_space<vmem>> -> memref<128x128xf32, #tpu.memory_space<vmem>>
      %dma_wait3A_125 = arith.constant 0 : i32
      %dma_wait3A_126 = tpu.memref_slice %arg8[%add3A_98, %dma_wait3A_125] : memref<40x128xi32, #tpu.memory_space<vmem>> -> memref<1x128xi32, #tpu.memory_space<vmem>>
      %dma_wait3A_127 = tpu.memref_squeeze %dma_wait3A_126 : memref<1x128xi32, #tpu.memory_space<vmem>> -> memref<128xi32, #tpu.memory_space<vmem>>
      %dma_wait3A_128 = arith.constant 0 : i32
      %dma_wait3A_129 = arith.constant 0 : i32
      %dma_wait3A_130 = tpu.memref_slice %arg10[%dma_wait3A_128, %dma_wait3A_129] : memref<10016x128xf32, #tpu.memory_space<vmem_shared>> -> memref<10016x128xf32, #tpu.memory_space<vmem_shared>>
      tpu.wait_indirect_dma semaphore(%arg13 : memref<!tpu.dma_semaphore, #tpu.memory_space<semaphore_mem>>) src(%dma_wait3A_124 : memref<128x128xf32, #tpu.memory_space<vmem>>) dst(%dma_wait3A_130 : memref<10016x128xf32, #tpu.memory_space<vmem_shared>>)
      %lt3A_131 = arith.constant 19 : i32
      %lt3A_132 = arith.cmpi slt, %scan3A_94, %lt3A_131 : i32
      %convert_element_type3A_133 = arith.extui %lt3A_132 : i1 to i32
      %cond3A_134 = arith.constant 0 : i32
      %cond3A_135 = arith.cmpi ne, %convert_element_type3A_133, %cond3A_134 : i32
      scf.if %cond3A_135 {
        %add3A_178 = arith.constant 2 : i32
        %add3A_179 = arith.addi %add3A_98, %add3A_178 : i32
        %dma_start3A_180 = arith.constant 0 : i32
        %dma_start3A_181 = arith.constant 0 : i32
        %dma_start3A_182 = arith.constant 0 : i32
        %dma_start3A_183 = tpu.memref_slice %arg9[%dma_start3A_180, %dma_start3A_181, %dma_start3A_182] : memref<2x128x128xf32, #tpu.memory_space<vmem>> -> memref<1x128x128xf32, #tpu.memory_space<vmem>>
        %dma_start3A_184 = tpu.memref_squeeze %dma_start3A_183 : memref<1x128x128xf32, #tpu.memory_space<vmem>> -> memref<128x128xf32, #tpu.memory_space<vmem>>
        %dma_start3A_185 = arith.constant 0 : i32
        %dma_start3A_186 = tpu.memref_slice %arg7[%add3A_179, %dma_start3A_185] : memref<40x128xi32, #tpu.memory_space<vmem>> -> memref<1x128xi32, #tpu.memory_space<vmem>>
        %dma_start3A_187 = tpu.memref_squeeze %dma_start3A_186 : memref<1x128xi32, #tpu.memory_space<vmem>> -> memref<128xi32, #tpu.memory_space<vmem>>
        %dma_start3A_188 = arith.constant 0 : i32
        %dma_start3A_189 = arith.constant 0 : i32
        %dma_start3A_190 = tpu.memref_slice %arg2[%dma_start3A_188, %dma_start3A_189] : memref<320000x128xf32, #tpu.memory_space<hbm>> -> memref<320000x128xf32, #tpu.memory_space<hbm>>
        tpu.enqueue_indirect_dma source(%dma_start3A_190 : memref<320000x128xf32, #tpu.memory_space<hbm>>) target(%dma_start3A_184 : memref<128x128xf32, #tpu.memory_space<vmem>>) offsets(%dma_start3A_187 : memref<128xi32, #tpu.memory_space<vmem>>) semaphore(%arg11 : memref<!tpu.dma_semaphore, #tpu.memory_space<semaphore_mem>>)
      } else {
      }
      %mul3A_136 = arith.constant 2 : i32
      %mul3A_137 = arith.muli %mul3A_136, %scan3A_94 : i32
      %add3A_138 = arith.constant 1 : i32
      %add3A_139 = arith.addi %mul3A_137, %add3A_138 : i32
      %dma_wait3A_140 = arith.constant 1 : i32
      %dma_wait3A_141 = arith.constant 0 : i32
      %dma_wait3A_142 = arith.constant 0 : i32
      %dma_wait3A_143 = tpu.memref_slice %arg9[%dma_wait3A_140, %dma_wait3A_141, %dma_wait3A_142] : memref<2x128x128xf32, #tpu.memory_space<vmem>> -> memref<1x128x128xf32, #tpu.memory_space<vmem>>
      %dma_wait3A_144 = tpu.memref_squeeze %dma_wait3A_143 : memref<1x128x128xf32, #tpu.memory_space<vmem>> -> memref<128x128xf32, #tpu.memory_space<vmem>>
      %dma_wait3A_145 = arith.constant 0 : i32
      %dma_wait3A_146 = tpu.memref_slice %arg7[%add3A_139, %dma_wait3A_145] : memref<40x128xi32, #tpu.memory_space<vmem>> -> memref<1x128xi32, #tpu.memory_space<vmem>>
      %dma_wait3A_147 = tpu.memref_squeeze %dma_wait3A_146 : memref<1x128xi32, #tpu.memory_space<vmem>> -> memref<128xi32, #tpu.memory_space<vmem>>
      %dma_wait3A_148 = arith.constant 0 : i32
      %dma_wait3A_149 = arith.constant 0 : i32
      %dma_wait3A_150 = tpu.memref_slice %arg2[%dma_wait3A_148, %dma_wait3A_149] : memref<320000x128xf32, #tpu.memory_space<hbm>> -> memref<320000x128xf32, #tpu.memory_space<hbm>>
      tpu.wait_indirect_dma semaphore(%arg12 : memref<!tpu.dma_semaphore, #tpu.memory_space<semaphore_mem>>) src(%dma_wait3A_150 : memref<320000x128xf32, #tpu.memory_space<hbm>>) dst(%dma_wait3A_144 : memref<128x128xf32, #tpu.memory_space<vmem>>)
      %dma_start3A_151 = arith.constant 1 : i32
      %dma_start3A_152 = arith.constant 0 : i32
      %dma_start3A_153 = arith.constant 0 : i32
      %dma_start3A_154 = tpu.memref_slice %arg9[%dma_start3A_151, %dma_start3A_152, %dma_start3A_153] : memref<2x128x128xf32, #tpu.memory_space<vmem>> -> memref<1x128x128xf32, #tpu.memory_space<vmem>>
      %dma_start3A_155 = tpu.memref_squeeze %dma_start3A_154 : memref<1x128x128xf32, #tpu.memory_space<vmem>> -> memref<128x128xf32, #tpu.memory_space<vmem>>
      %dma_start3A_156 = arith.constant 0 : i32
      %dma_start3A_157 = tpu.memref_slice %arg8[%add3A_139, %dma_start3A_156] : memref<40x128xi32, #tpu.memory_space<vmem>> -> memref<1x128xi32, #tpu.memory_space<vmem>>
      %dma_start3A_158 = tpu.memref_squeeze %dma_start3A_157 : memref<1x128xi32, #tpu.memory_space<vmem>> -> memref<128xi32, #tpu.memory_space<vmem>>
      %dma_start3A_159 = arith.constant 0 : i32
      %dma_start3A_160 = arith.constant 0 : i32
      %dma_start3A_161 = tpu.memref_slice %arg10[%dma_start3A_159, %dma_start3A_160] : memref<10016x128xf32, #tpu.memory_space<vmem_shared>> -> memref<10016x128xf32, #tpu.memory_space<vmem_shared>>
      tpu.enqueue_indirect_dma source(%dma_start3A_155 : memref<128x128xf32, #tpu.memory_space<vmem>>) target(%dma_start3A_161 : memref<10016x128xf32, #tpu.memory_space<vmem_shared>>) offsets(%dma_start3A_158 : memref<128xi32, #tpu.memory_space<vmem>>) semaphore(%arg13 : memref<!tpu.dma_semaphore, #tpu.memory_space<semaphore_mem>>) {add = true}
      %dma_wait3A_162 = arith.constant 1 : i32
      %dma_wait3A_163 = arith.constant 0 : i32
      %dma_wait3A_164 = arith.constant 0 : i32
      %dma_wait3A_165 = tpu.memref_slice %arg9[%dma_wait3A_162, %dma_wait3A_163, %dma_wait3A_164] : memref<2x128x128xf32, #tpu.memory_space<vmem>> -> memref<1x128x128xf32, #tpu.memory_space<vmem>>
      %dma_wait3A_166 = tpu.memref_squeeze %dma_wait3A_165 : memref<1x128x128xf32, #tpu.memory_space<vmem>> -> memref<128x128xf32, #tpu.memory_space<vmem>>
      %dma_wait3A_167 = arith.constant 0 : i32
      %dma_wait3A_168 = tpu.memref_slice %arg8[%add3A_139, %dma_wait3A_167] : memref<40x128xi32, #tpu.memory_space<vmem>> -> memref<1x128xi32, #tpu.memory_space<vmem>>
      %dma_wait3A_169 = tpu.memref_squeeze %dma_wait3A_168 : memref<1x128xi32, #tpu.memory_space<vmem>> -> memref<128xi32, #tpu.memory_space<vmem>>
      %dma_wait3A_170 = arith.constant 0 : i32
      %dma_wait3A_171 = arith.constant 0 : i32
      %dma_wait3A_172 = tpu.memref_slice %arg10[%dma_wait3A_170, %dma_wait3A_171] : memref<10016x128xf32, #tpu.memory_space<vmem_shared>> -> memref<10016x128xf32, #tpu.memory_space<vmem_shared>>
      tpu.wait_indirect_dma semaphore(%arg13 : memref<!tpu.dma_semaphore, #tpu.memory_space<semaphore_mem>>) src(%dma_wait3A_166 : memref<128x128xf32, #tpu.memory_space<vmem>>) dst(%dma_wait3A_172 : memref<10016x128xf32, #tpu.memory_space<vmem_shared>>)
      %lt3A_173 = arith.constant 19 : i32
      %lt3A_174 = arith.cmpi slt, %scan3A_94, %lt3A_173 : i32
      %convert_element_type3A_175 = arith.extui %lt3A_174 : i1 to i32
      %cond3A_176 = arith.constant 0 : i32
      %cond3A_177 = arith.cmpi ne, %convert_element_type3A_175, %cond3A_176 : i32
      scf.if %cond3A_177 {
        %add3A_178 = arith.constant 2 : i32
        %add3A_179 = arith.addi %add3A_139, %add3A_178 : i32
        %dma_start3A_180 = arith.constant 1 : i32
        %dma_start3A_181 = arith.constant 0 : i32
        %dma_start3A_182 = arith.constant 0 : i32
        %dma_start3A_183 = tpu.memref_slice %arg9[%dma_start3A_180, %dma_start3A_181, %dma_start3A_182] : memref<2x128x128xf32, #tpu.memory_space<vmem>> -> memref<1x128x128xf32, #tpu.memory_space<vmem>>
        %dma_start3A_184 = tpu.memref_squeeze %dma_start3A_183 : memref<1x128x128xf32, #tpu.memory_space<vmem>> -> memref<128x128xf32, #tpu.memory_space<vmem>>
        %dma_start3A_185 = arith.constant 0 : i32
        %dma_start3A_186 = tpu.memref_slice %arg7[%add3A_179, %dma_start3A_185] : memref<40x128xi32, #tpu.memory_space<vmem>> -> memref<1x128xi32, #tpu.memory_space<vmem>>
        %dma_start3A_187 = tpu.memref_squeeze %dma_start3A_186 : memref<1x128xi32, #tpu.memory_space<vmem>> -> memref<128xi32, #tpu.memory_space<vmem>>
        %dma_start3A_188 = arith.constant 0 : i32
        %dma_start3A_189 = arith.constant 0 : i32
        %dma_start3A_190 = tpu.memref_slice %arg2[%dma_start3A_188, %dma_start3A_189] : memref<320000x128xf32, #tpu.memory_space<hbm>> -> memref<320000x128xf32, #tpu.memory_space<hbm>>
        tpu.enqueue_indirect_dma source(%dma_start3A_190 : memref<320000x128xf32, #tpu.memory_space<hbm>>) target(%dma_start3A_184 : memref<128x128xf32, #tpu.memory_space<vmem>>) offsets(%dma_start3A_187 : memref<128xi32, #tpu.memory_space<vmem>>) semaphore(%arg12 : memref<!tpu.dma_semaphore, #tpu.memory_space<semaphore_mem>>)
      } else {
      }
    }
    %scan3A_46 = arith.constant 20 : i32
    %add3A_47 = arith.constant 40 : i32
    %add3A_48 = arith.addi %add3A, %add3A_47 : i32
    %multiple_of3A_49 = tpu.assume_multiple %add3A_48, 8 : i32
    %add3A_50 = arith.constant 40 : i32
    %add3A_51 = arith.addi %mul3A_12, %add3A_50 : i32
    %multiple_of3A_52 = tpu.assume_multiple %add3A_51, 8 : i32
    "tpu.region"() ({
      %run_scoped3A = tpu.sem_alloc : memref<!tpu.dma_semaphore, #tpu.memory_space<semaphore_mem>>
      %dma_start3A_94 = arith.constant 0 : i32
      %dma_start3A_95 = tpu.memref_slice %arg3[%multiple_of3A_49, %dma_start3A_94] : memref<2560x128xi32, #tpu.memory_space<hbm>> -> memref<40x128xi32, #tpu.memory_space<hbm>>
      %dma_start3A_96 = arith.constant 0 : i32
      %dma_start3A_97 = tpu.memref_slice %arg3[%multiple_of3A_49, %dma_start3A_96] : memref<2560x128xi32, #tpu.memory_space<hbm>> -> memref<40x128xi32, #tpu.memory_space<hbm>>
      tpu.enqueue_dma source(%dma_start3A_97 : memref<40x128xi32, #tpu.memory_space<hbm>>) target(%arg7 : memref<40x128xi32, #tpu.memory_space<vmem>>) target_semaphore(%run_scoped3A : memref<!tpu.dma_semaphore, #tpu.memory_space<semaphore_mem>>)
      %dma_wait3A = arith.constant 0 : i32
      %dma_wait3A_98 = tpu.memref_slice %arg3[%multiple_of3A_49, %dma_wait3A] : memref<2560x128xi32, #tpu.memory_space<hbm>> -> memref<40x128xi32, #tpu.memory_space<hbm>>
      %dma_wait3A_99 = arith.constant 0 : i32
      %dma_wait3A_100 = tpu.memref_slice %arg3[%multiple_of3A_49, %dma_wait3A_99] : memref<2560x128xi32, #tpu.memory_space<hbm>> -> memref<40x128xi32, #tpu.memory_space<hbm>>
      tpu.wait_dma2 semaphore(%run_scoped3A : memref<!tpu.dma_semaphore, #tpu.memory_space<semaphore_mem>>) src(%dma_wait3A_100 : memref<40x128xi32, #tpu.memory_space<hbm>>) dst(%arg7 : memref<40x128xi32, #tpu.memory_space<vmem>>)
      tpu.yield
    }) : () -> ()
    "tpu.region"() ({
      %run_scoped3A = tpu.sem_alloc : memref<!tpu.dma_semaphore, #tpu.memory_space<semaphore_mem>>
      %dma_start3A_94 = arith.constant 0 : i32
      %dma_start3A_95 = tpu.memref_slice %arg4[%multiple_of3A_52, %dma_start3A_94] : memref<1280x128xi32, #tpu.memory_space<hbm>> -> memref<40x128xi32, #tpu.memory_space<hbm>>
      %dma_start3A_96 = arith.constant 0 : i32
      %dma_start3A_97 = tpu.memref_slice %arg4[%multiple_of3A_52, %dma_start3A_96] : memref<1280x128xi32, #tpu.memory_space<hbm>> -> memref<40x128xi32, #tpu.memory_space<hbm>>
      tpu.enqueue_dma source(%dma_start3A_97 : memref<40x128xi32, #tpu.memory_space<hbm>>) target(%arg8 : memref<40x128xi32, #tpu.memory_space<vmem>>) target_semaphore(%run_scoped3A : memref<!tpu.dma_semaphore, #tpu.memory_space<semaphore_mem>>)
      %dma_wait3A = arith.constant 0 : i32
      %dma_wait3A_98 = tpu.memref_slice %arg4[%multiple_of3A_52, %dma_wait3A] : memref<1280x128xi32, #tpu.memory_space<hbm>> -> memref<40x128xi32, #tpu.memory_space<hbm>>
      %dma_wait3A_99 = arith.constant 0 : i32
      %dma_wait3A_100 = tpu.memref_slice %arg4[%multiple_of3A_52, %dma_wait3A_99] : memref<1280x128xi32, #tpu.memory_space<hbm>> -> memref<40x128xi32, #tpu.memory_space<hbm>>
      tpu.wait_dma2 semaphore(%run_scoped3A : memref<!tpu.dma_semaphore, #tpu.memory_space<semaphore_mem>>) src(%dma_wait3A_100 : memref<40x128xi32, #tpu.memory_space<hbm>>) dst(%arg8 : memref<40x128xi32, #tpu.memory_space<vmem>>)
      tpu.yield
    }) : () -> ()
    %dma_start3A_53 = arith.constant 0 : i32
    %dma_start3A_54 = arith.constant 0 : i32
    %dma_start3A_55 = arith.constant 0 : i32
    %dma_start3A_56 = arith.constant 0 : i32
    %dma_start3A_57 = tpu.memref_slice %arg9[%dma_start3A_54, %dma_start3A_55, %dma_start3A_56] : memref<2x128x128xf32, #tpu.memory_space<vmem>> -> memref<1x128x128xf32, #tpu.memory_space<vmem>>
    %dma_start3A_58 = tpu.memref_squeeze %dma_start3A_57 : memref<1x128x128xf32, #tpu.memory_space<vmem>> -> memref<128x128xf32, #tpu.memory_space<vmem>>
    %dma_start3A_59 = arith.constant 0 : i32
    %dma_start3A_60 = tpu.memref_slice %arg7[%dma_start3A_53, %dma_start3A_59] : memref<40x128xi32, #tpu.memory_space<vmem>> -> memref<1x128xi32, #tpu.memory_space<vmem>>
    %dma_start3A_61 = tpu.memref_squeeze %dma_start3A_60 : memref<1x128xi32, #tpu.memory_space<vmem>> -> memref<128xi32, #tpu.memory_space<vmem>>
    %dma_start3A_62 = arith.constant 0 : i32
    %dma_start3A_63 = arith.constant 0 : i32
    %dma_start3A_64 = tpu.memref_slice %arg2[%dma_start3A_62, %dma_start3A_63] : memref<320000x128xf32, #tpu.memory_space<hbm>> -> memref<320000x128xf32, #tpu.memory_space<hbm>>
    tpu.enqueue_indirect_dma source(%dma_start3A_64 : memref<320000x128xf32, #tpu.memory_space<hbm>>) target(%dma_start3A_58 : memref<128x128xf32, #tpu.memory_space<vmem>>) offsets(%dma_start3A_61 : memref<128xi32, #tpu.memory_space<vmem>>) semaphore(%arg11 : memref<!tpu.dma_semaphore, #tpu.memory_space<semaphore_mem>>)
    %dma_start3A_65 = arith.constant 1 : i32
    %dma_start3A_66 = arith.constant 1 : i32
    %dma_start3A_67 = arith.constant 0 : i32
    %dma_start3A_68 = arith.constant 0 : i32
    %dma_start3A_69 = tpu.memref_slice %arg9[%dma_start3A_66, %dma_start3A_67, %dma_start3A_68] : memref<2x128x128xf32, #tpu.memory_space<vmem>> -> memref<1x128x128xf32, #tpu.memory_space<vmem>>
    %dma_start3A_70 = tpu.memref_squeeze %dma_start3A_69 : memref<1x128x128xf32, #tpu.memory_space<vmem>> -> memref<128x128xf32, #tpu.memory_space<vmem>>
    %dma_start3A_71 = arith.constant 0 : i32
    %dma_start3A_72 = tpu.memref_slice %arg7[%dma_start3A_65, %dma_start3A_71] : memref<40x128xi32, #tpu.memory_space<vmem>> -> memref<1x128xi32, #tpu.memory_space<vmem>>
    %dma_start3A_73 = tpu.memref_squeeze %dma_start3A_72 : memref<1x128xi32, #tpu.memory_space<vmem>> -> memref<128xi32, #tpu.memory_space<vmem>>
    %dma_start3A_74 = arith.constant 0 : i32
    %dma_start3A_75 = arith.constant 0 : i32
    %dma_start3A_76 = tpu.memref_slice %arg2[%dma_start3A_74, %dma_start3A_75] : memref<320000x128xf32, #tpu.memory_space<hbm>> -> memref<320000x128xf32, #tpu.memory_space<hbm>>
    tpu.enqueue_indirect_dma source(%dma_start3A_76 : memref<320000x128xf32, #tpu.memory_space<hbm>>) target(%dma_start3A_70 : memref<128x128xf32, #tpu.memory_space<vmem>>) offsets(%dma_start3A_73 : memref<128xi32, #tpu.memory_space<vmem>>) semaphore(%arg12 : memref<!tpu.dma_semaphore, #tpu.memory_space<semaphore_mem>>)
    %scan3A_77 = arith.constant 0 : i32
    %scan3A_78 = arith.constant 0 : i32
    %scan3A_79 = arith.constant 20 : i32
    %scan3A_80 = arith.addi %scan3A_78, %scan3A_79 : i32
    %scan3A_81 = arith.constant 1 : i32
    scf.for %scan3A_94 = %scan3A_78 to %scan3A_80 step %scan3A_81  : i32 {
      %mul3A_95 = arith.constant 2 : i32
      %mul3A_96 = arith.muli %mul3A_95, %scan3A_94 : i32
      %add3A_97 = arith.constant 0 : i32
      %add3A_98 = arith.addi %mul3A_96, %add3A_97 : i32
      %dma_wait3A = arith.constant 0 : i32
      %dma_wait3A_99 = arith.constant 0 : i32
      %dma_wait3A_100 = arith.constant 0 : i32
      %dma_wait3A_101 = tpu.memref_slice %arg9[%dma_wait3A, %dma_wait3A_99, %dma_wait3A_100] : memref<2x128x128xf32, #tpu.memory_space<vmem>> -> memref<1x128x128xf32, #tpu.memory_space<vmem>>
      %dma_wait3A_102 = tpu.memref_squeeze %dma_wait3A_101 : memref<1x128x128xf32, #tpu.memory_space<vmem>> -> memref<128x128xf32, #tpu.memory_space<vmem>>
      %dma_wait3A_103 = arith.constant 0 : i32
      %dma_wait3A_104 = tpu.memref_slice %arg7[%add3A_98, %dma_wait3A_103] : memref<40x128xi32, #tpu.memory_space<vmem>> -> memref<1x128xi32, #tpu.memory_space<vmem>>
      %dma_wait3A_105 = tpu.memref_squeeze %dma_wait3A_104 : memref<1x128xi32, #tpu.memory_space<vmem>> -> memref<128xi32, #tpu.memory_space<vmem>>
      %dma_wait3A_106 = arith.constant 0 : i32
      %dma_wait3A_107 = arith.constant 0 : i32
      %dma_wait3A_108 = tpu.memref_slice %arg2[%dma_wait3A_106, %dma_wait3A_107] : memref<320000x128xf32, #tpu.memory_space<hbm>> -> memref<320000x128xf32, #tpu.memory_space<hbm>>
      tpu.wait_indirect_dma semaphore(%arg11 : memref<!tpu.dma_semaphore, #tpu.memory_space<semaphore_mem>>) src(%dma_wait3A_108 : memref<320000x128xf32, #tpu.memory_space<hbm>>) dst(%dma_wait3A_102 : memref<128x128xf32, #tpu.memory_space<vmem>>)
      %dma_start3A_109 = arith.constant 0 : i32
      %dma_start3A_110 = arith.constant 0 : i32
      %dma_start3A_111 = arith.constant 0 : i32
      %dma_start3A_112 = tpu.memref_slice %arg9[%dma_start3A_109, %dma_start3A_110, %dma_start3A_111] : memref<2x128x128xf32, #tpu.memory_space<vmem>> -> memref<1x128x128xf32, #tpu.memory_space<vmem>>
      %dma_start3A_113 = tpu.memref_squeeze %dma_start3A_112 : memref<1x128x128xf32, #tpu.memory_space<vmem>> -> memref<128x128xf32, #tpu.memory_space<vmem>>
      %dma_start3A_114 = arith.constant 0 : i32
      %dma_start3A_115 = tpu.memref_slice %arg8[%add3A_98, %dma_start3A_114] : memref<40x128xi32, #tpu.memory_space<vmem>> -> memref<1x128xi32, #tpu.memory_space<vmem>>
      %dma_start3A_116 = tpu.memref_squeeze %dma_start3A_115 : memref<1x128xi32, #tpu.memory_space<vmem>> -> memref<128xi32, #tpu.memory_space<vmem>>
      %dma_start3A_117 = arith.constant 0 : i32
      %dma_start3A_118 = arith.constant 0 : i32
      %dma_start3A_119 = tpu.memref_slice %arg10[%dma_start3A_117, %dma_start3A_118] : memref<10016x128xf32, #tpu.memory_space<vmem_shared>> -> memref<10016x128xf32, #tpu.memory_space<vmem_shared>>
      tpu.enqueue_indirect_dma source(%dma_start3A_113 : memref<128x128xf32, #tpu.memory_space<vmem>>) target(%dma_start3A_119 : memref<10016x128xf32, #tpu.memory_space<vmem_shared>>) offsets(%dma_start3A_116 : memref<128xi32, #tpu.memory_space<vmem>>) semaphore(%arg13 : memref<!tpu.dma_semaphore, #tpu.memory_space<semaphore_mem>>) {add = true}
      %dma_wait3A_120 = arith.constant 0 : i32
      %dma_wait3A_121 = arith.constant 0 : i32
      %dma_wait3A_122 = arith.constant 0 : i32
      %dma_wait3A_123 = tpu.memref_slice %arg9[%dma_wait3A_120, %dma_wait3A_121, %dma_wait3A_122] : memref<2x128x128xf32, #tpu.memory_space<vmem>> -> memref<1x128x128xf32, #tpu.memory_space<vmem>>
      %dma_wait3A_124 = tpu.memref_squeeze %dma_wait3A_123 : memref<1x128x128xf32, #tpu.memory_space<vmem>> -> memref<128x128xf32, #tpu.memory_space<vmem>>
      %dma_wait3A_125 = arith.constant 0 : i32
      %dma_wait3A_126 = tpu.memref_slice %arg8[%add3A_98, %dma_wait3A_125] : memref<40x128xi32, #tpu.memory_space<vmem>> -> memref<1x128xi32, #tpu.memory_space<vmem>>
      %dma_wait3A_127 = tpu.memref_squeeze %dma_wait3A_126 : memref<1x128xi32, #tpu.memory_space<vmem>> -> memref<128xi32, #tpu.memory_space<vmem>>
      %dma_wait3A_128 = arith.constant 0 : i32
      %dma_wait3A_129 = arith.constant 0 : i32
      %dma_wait3A_130 = tpu.memref_slice %arg10[%dma_wait3A_128, %dma_wait3A_129] : memref<10016x128xf32, #tpu.memory_space<vmem_shared>> -> memref<10016x128xf32, #tpu.memory_space<vmem_shared>>
      tpu.wait_indirect_dma semaphore(%arg13 : memref<!tpu.dma_semaphore, #tpu.memory_space<semaphore_mem>>) src(%dma_wait3A_124 : memref<128x128xf32, #tpu.memory_space<vmem>>) dst(%dma_wait3A_130 : memref<10016x128xf32, #tpu.memory_space<vmem_shared>>)
      %lt3A_131 = arith.constant 19 : i32
      %lt3A_132 = arith.cmpi slt, %scan3A_94, %lt3A_131 : i32
      %convert_element_type3A_133 = arith.extui %lt3A_132 : i1 to i32
      %cond3A_134 = arith.constant 0 : i32
      %cond3A_135 = arith.cmpi ne, %convert_element_type3A_133, %cond3A_134 : i32
      scf.if %cond3A_135 {
        %add3A_178 = arith.constant 2 : i32
        %add3A_179 = arith.addi %add3A_98, %add3A_178 : i32
        %dma_start3A_180 = arith.constant 0 : i32
        %dma_start3A_181 = arith.constant 0 : i32
        %dma_start3A_182 = arith.constant 0 : i32
        %dma_start3A_183 = tpu.memref_slice %arg9[%dma_start3A_180, %dma_start3A_181, %dma_start3A_182] : memref<2x128x128xf32, #tpu.memory_space<vmem>> -> memref<1x128x128xf32, #tpu.memory_space<vmem>>
        %dma_start3A_184 = tpu.memref_squeeze %dma_start3A_183 : memref<1x128x128xf32, #tpu.memory_space<vmem>> -> memref<128x128xf32, #tpu.memory_space<vmem>>
        %dma_start3A_185 = arith.constant 0 : i32
        %dma_start3A_186 = tpu.memref_slice %arg7[%add3A_179, %dma_start3A_185] : memref<40x128xi32, #tpu.memory_space<vmem>> -> memref<1x128xi32, #tpu.memory_space<vmem>>
        %dma_start3A_187 = tpu.memref_squeeze %dma_start3A_186 : memref<1x128xi32, #tpu.memory_space<vmem>> -> memref<128xi32, #tpu.memory_space<vmem>>
        %dma_start3A_188 = arith.constant 0 : i32
        %dma_start3A_189 = arith.constant 0 : i32
        %dma_start3A_190 = tpu.memref_slice %arg2[%dma_start3A_188, %dma_start3A_189] : memref<320000x128xf32, #tpu.memory_space<hbm>> -> memref<320000x128xf32, #tpu.memory_space<hbm>>
        tpu.enqueue_indirect_dma source(%dma_start3A_190 : memref<320000x128xf32, #tpu.memory_space<hbm>>) target(%dma_start3A_184 : memref<128x128xf32, #tpu.memory_space<vmem>>) offsets(%dma_start3A_187 : memref<128xi32, #tpu.memory_space<vmem>>) semaphore(%arg11 : memref<!tpu.dma_semaphore, #tpu.memory_space<semaphore_mem>>)
      } else {
      }
      %mul3A_136 = arith.constant 2 : i32
      %mul3A_137 = arith.muli %mul3A_136, %scan3A_94 : i32
      %add3A_138 = arith.constant 1 : i32
      %add3A_139 = arith.addi %mul3A_137, %add3A_138 : i32
      %dma_wait3A_140 = arith.constant 1 : i32
      %dma_wait3A_141 = arith.constant 0 : i32
      %dma_wait3A_142 = arith.constant 0 : i32
      %dma_wait3A_143 = tpu.memref_slice %arg9[%dma_wait3A_140, %dma_wait3A_141, %dma_wait3A_142] : memref<2x128x128xf32, #tpu.memory_space<vmem>> -> memref<1x128x128xf32, #tpu.memory_space<vmem>>
      %dma_wait3A_144 = tpu.memref_squeeze %dma_wait3A_143 : memref<1x128x128xf32, #tpu.memory_space<vmem>> -> memref<128x128xf32, #tpu.memory_space<vmem>>
      %dma_wait3A_145 = arith.constant 0 : i32
      %dma_wait3A_146 = tpu.memref_slice %arg7[%add3A_139, %dma_wait3A_145] : memref<40x128xi32, #tpu.memory_space<vmem>> -> memref<1x128xi32, #tpu.memory_space<vmem>>
      %dma_wait3A_147 = tpu.memref_squeeze %dma_wait3A_146 : memref<1x128xi32, #tpu.memory_space<vmem>> -> memref<128xi32, #tpu.memory_space<vmem>>
      %dma_wait3A_148 = arith.constant 0 : i32
      %dma_wait3A_149 = arith.constant 0 : i32
      %dma_wait3A_150 = tpu.memref_slice %arg2[%dma_wait3A_148, %dma_wait3A_149] : memref<320000x128xf32, #tpu.memory_space<hbm>> -> memref<320000x128xf32, #tpu.memory_space<hbm>>
      tpu.wait_indirect_dma semaphore(%arg12 : memref<!tpu.dma_semaphore, #tpu.memory_space<semaphore_mem>>) src(%dma_wait3A_150 : memref<320000x128xf32, #tpu.memory_space<hbm>>) dst(%dma_wait3A_144 : memref<128x128xf32, #tpu.memory_space<vmem>>)
      %dma_start3A_151 = arith.constant 1 : i32
      %dma_start3A_152 = arith.constant 0 : i32
      %dma_start3A_153 = arith.constant 0 : i32
      %dma_start3A_154 = tpu.memref_slice %arg9[%dma_start3A_151, %dma_start3A_152, %dma_start3A_153] : memref<2x128x128xf32, #tpu.memory_space<vmem>> -> memref<1x128x128xf32, #tpu.memory_space<vmem>>
      %dma_start3A_155 = tpu.memref_squeeze %dma_start3A_154 : memref<1x128x128xf32, #tpu.memory_space<vmem>> -> memref<128x128xf32, #tpu.memory_space<vmem>>
      %dma_start3A_156 = arith.constant 0 : i32
      %dma_start3A_157 = tpu.memref_slice %arg8[%add3A_139, %dma_start3A_156] : memref<40x128xi32, #tpu.memory_space<vmem>> -> memref<1x128xi32, #tpu.memory_space<vmem>>
      %dma_start3A_158 = tpu.memref_squeeze %dma_start3A_157 : memref<1x128xi32, #tpu.memory_space<vmem>> -> memref<128xi32, #tpu.memory_space<vmem>>
      %dma_start3A_159 = arith.constant 0 : i32
      %dma_start3A_160 = arith.constant 0 : i32
      %dma_start3A_161 = tpu.memref_slice %arg10[%dma_start3A_159, %dma_start3A_160] : memref<10016x128xf32, #tpu.memory_space<vmem_shared>> -> memref<10016x128xf32, #tpu.memory_space<vmem_shared>>
      tpu.enqueue_indirect_dma source(%dma_start3A_155 : memref<128x128xf32, #tpu.memory_space<vmem>>) target(%dma_start3A_161 : memref<10016x128xf32, #tpu.memory_space<vmem_shared>>) offsets(%dma_start3A_158 : memref<128xi32, #tpu.memory_space<vmem>>) semaphore(%arg13 : memref<!tpu.dma_semaphore, #tpu.memory_space<semaphore_mem>>) {add = true}
      %dma_wait3A_162 = arith.constant 1 : i32
      %dma_wait3A_163 = arith.constant 0 : i32
      %dma_wait3A_164 = arith.constant 0 : i32
      %dma_wait3A_165 = tpu.memref_slice %arg9[%dma_wait3A_162, %dma_wait3A_163, %dma_wait3A_164] : memref<2x128x128xf32, #tpu.memory_space<vmem>> -> memref<1x128x128xf32, #tpu.memory_space<vmem>>
      %dma_wait3A_166 = tpu.memref_squeeze %dma_wait3A_165 : memref<1x128x128xf32, #tpu.memory_space<vmem>> -> memref<128x128xf32, #tpu.memory_space<vmem>>
      %dma_wait3A_167 = arith.constant 0 : i32
      %dma_wait3A_168 = tpu.memref_slice %arg8[%add3A_139, %dma_wait3A_167] : memref<40x128xi32, #tpu.memory_space<vmem>> -> memref<1x128xi32, #tpu.memory_space<vmem>>
      %dma_wait3A_169 = tpu.memref_squeeze %dma_wait3A_168 : memref<1x128xi32, #tpu.memory_space<vmem>> -> memref<128xi32, #tpu.memory_space<vmem>>
      %dma_wait3A_170 = arith.constant 0 : i32
      %dma_wait3A_171 = arith.constant 0 : i32
      %dma_wait3A_172 = tpu.memref_slice %arg10[%dma_wait3A_170, %dma_wait3A_171] : memref<10016x128xf32, #tpu.memory_space<vmem_shared>> -> memref<10016x128xf32, #tpu.memory_space<vmem_shared>>
      tpu.wait_indirect_dma semaphore(%arg13 : memref<!tpu.dma_semaphore, #tpu.memory_space<semaphore_mem>>) src(%dma_wait3A_166 : memref<128x128xf32, #tpu.memory_space<vmem>>) dst(%dma_wait3A_172 : memref<10016x128xf32, #tpu.memory_space<vmem_shared>>)
      %lt3A_173 = arith.constant 19 : i32
      %lt3A_174 = arith.cmpi slt, %scan3A_94, %lt3A_173 : i32
      %convert_element_type3A_175 = arith.extui %lt3A_174 : i1 to i32
      %cond3A_176 = arith.constant 0 : i32
      %cond3A_177 = arith.cmpi ne, %convert_element_type3A_175, %cond3A_176 : i32
      scf.if %cond3A_177 {
        %add3A_178 = arith.constant 2 : i32
        %add3A_179 = arith.addi %add3A_139, %add3A_178 : i32
        %dma_start3A_180 = arith.constant 1 : i32
        %dma_start3A_181 = arith.constant 0 : i32
        %dma_start3A_182 = arith.constant 0 : i32
        %dma_start3A_183 = tpu.memref_slice %arg9[%dma_start3A_180, %dma_start3A_181, %dma_start3A_182] : memref<2x128x128xf32, #tpu.memory_space<vmem>> -> memref<1x128x128xf32, #tpu.memory_space<vmem>>
        %dma_start3A_184 = tpu.memref_squeeze %dma_start3A_183 : memref<1x128x128xf32, #tpu.memory_space<vmem>> -> memref<128x128xf32, #tpu.memory_space<vmem>>
        %dma_start3A_185 = arith.constant 0 : i32
        %dma_start3A_186 = tpu.memref_slice %arg7[%add3A_179, %dma_start3A_185] : memref<40x128xi32, #tpu.memory_space<vmem>> -> memref<1x128xi32, #tpu.memory_space<vmem>>
        %dma_start3A_187 = tpu.memref_squeeze %dma_start3A_186 : memref<1x128xi32, #tpu.memory_space<vmem>> -> memref<128xi32, #tpu.memory_space<vmem>>
        %dma_start3A_188 = arith.constant 0 : i32
        %dma_start3A_189 = arith.constant 0 : i32
        %dma_start3A_190 = tpu.memref_slice %arg2[%dma_start3A_188, %dma_start3A_189] : memref<320000x128xf32, #tpu.memory_space<hbm>> -> memref<320000x128xf32, #tpu.memory_space<hbm>>
        tpu.enqueue_indirect_dma source(%dma_start3A_190 : memref<320000x128xf32, #tpu.memory_space<hbm>>) target(%dma_start3A_184 : memref<128x128xf32, #tpu.memory_space<vmem>>) offsets(%dma_start3A_187 : memref<128xi32, #tpu.memory_space<vmem>>) semaphore(%arg12 : memref<!tpu.dma_semaphore, #tpu.memory_space<semaphore_mem>>)
      } else {
      }
    }
    %scan3A_82 = arith.constant 20 : i32
    %barrier3A_83 = arith.constant 0 : index
    tpu.barrier barrier_id(%barrier3A_83)
    %lt3A_84 = arith.constant 15 : i32
    %lt3A_85 = arith.cmpi slt, %arg1, %lt3A_84 : i32
    %convert_element_type3A_86 = arith.extui %lt3A_85 : i1 to i32
    %cond3A_87 = arith.constant 0 : i32
    %cond3A_88 = arith.cmpi ne, %convert_element_type3A_86, %cond3A_87 : i32
    scf.if %cond3A_88 {
      "tpu.region"() ({
        %run_scoped3A = tpu.sem_alloc : memref<!tpu.dma_semaphore, #tpu.memory_space<semaphore_mem>>
        %dma_start3A_94 = arith.constant 0 : i32
        %dma_start3A_95 = tpu.memref_slice %arg6[%arg0, %multiple_of3A, %dma_start3A_94] : memref<2x10000x128xf32, #tpu.memory_space<hbm>> -> memref<1x640x128xf32, #tpu.memory_space<hbm>>
        %dma_start3A_96 = tpu.memref_squeeze %dma_start3A_95 : memref<1x640x128xf32, #tpu.memory_space<hbm>> -> memref<640x128xf32, #tpu.memory_space<hbm>>
        %dma_start3A_97 = arith.constant 0 : i32
        %dma_start3A_98 = tpu.memref_slice %arg10[%multiple_of3A, %dma_start3A_97] : memref<10016x128xf32, #tpu.memory_space<vmem_shared>> -> memref<640x128xf32, #tpu.memory_space<vmem_shared>>
        tpu.enqueue_dma source(%dma_start3A_98 : memref<640x128xf32, #tpu.memory_space<vmem_shared>>) target(%dma_start3A_96 : memref<640x128xf32, #tpu.memory_space<hbm>>) target_semaphore(%run_scoped3A : memref<!tpu.dma_semaphore, #tpu.memory_space<semaphore_mem>>)
        %dma_wait3A = arith.constant 0 : i32
        %dma_wait3A_99 = tpu.memref_slice %arg6[%arg0, %multiple_of3A, %dma_wait3A] : memref<2x10000x128xf32, #tpu.memory_space<hbm>> -> memref<1x640x128xf32, #tpu.memory_space<hbm>>
        %dma_wait3A_100 = tpu.memref_squeeze %dma_wait3A_99 : memref<1x640x128xf32, #tpu.memory_space<hbm>> -> memref<640x128xf32, #tpu.memory_space<hbm>>
        %dma_wait3A_101 = arith.constant 0 : i32
        %dma_wait3A_102 = tpu.memref_slice %arg10[%multiple_of3A, %dma_wait3A_101] : memref<10016x128xf32, #tpu.memory_space<vmem_shared>> -> memref<640x128xf32, #tpu.memory_space<vmem_shared>>
        tpu.wait_dma2 semaphore(%run_scoped3A : memref<!tpu.dma_semaphore, #tpu.memory_space<semaphore_mem>>) src(%dma_wait3A_102 : memref<640x128xf32, #tpu.memory_space<vmem_shared>>) dst(%dma_wait3A_100 : memref<640x128xf32, #tpu.memory_space<hbm>>)
        tpu.yield
      }) : () -> ()
    } else {
    }
    %eq3A_89 = arith.constant 15 : i32
    %eq3A_90 = arith.cmpi eq, %arg1, %eq3A_89 : i32
    %convert_element_type3A_91 = arith.extui %eq3A_90 : i1 to i32
    %cond3A_92 = arith.constant 0 : i32
    %cond3A_93 = arith.cmpi ne, %convert_element_type3A_91, %cond3A_92 : i32
    scf.if %cond3A_93 {
      "tpu.region"() ({
        %run_scoped3A = tpu.sem_alloc : memref<!tpu.dma_semaphore, #tpu.memory_space<semaphore_mem>>
        %dma_start3A_94 = arith.constant 0 : i32
        %dma_start3A_95 = tpu.memref_slice %arg6[%arg0, %multiple_of3A, %dma_start3A_94] : memref<2x10000x128xf32, #tpu.memory_space<hbm>> -> memref<1x400x128xf32, #tpu.memory_space<hbm>>
        %dma_start3A_96 = tpu.memref_squeeze %dma_start3A_95 : memref<1x400x128xf32, #tpu.memory_space<hbm>> -> memref<400x128xf32, #tpu.memory_space<hbm>>
        %dma_start3A_97 = arith.constant 0 : i32
        %dma_start3A_98 = tpu.memref_slice %arg10[%multiple_of3A, %dma_start3A_97] : memref<10016x128xf32, #tpu.memory_space<vmem_shared>> -> memref<400x128xf32, #tpu.memory_space<vmem_shared>>
        tpu.enqueue_dma source(%dma_start3A_98 : memref<400x128xf32, #tpu.memory_space<vmem_shared>>) target(%dma_start3A_96 : memref<400x128xf32, #tpu.memory_space<hbm>>) target_semaphore(%run_scoped3A : memref<!tpu.dma_semaphore, #tpu.memory_space<semaphore_mem>>)
        %dma_wait3A = arith.constant 0 : i32
        %dma_wait3A_99 = tpu.memref_slice %arg6[%arg0, %multiple_of3A, %dma_wait3A] : memref<2x10000x128xf32, #tpu.memory_space<hbm>> -> memref<1x400x128xf32, #tpu.memory_space<hbm>>
        %dma_wait3A_100 = tpu.memref_squeeze %dma_wait3A_99 : memref<1x400x128xf32, #tpu.memory_space<hbm>> -> memref<400x128xf32, #tpu.memory_space<hbm>>
        %dma_wait3A_101 = arith.constant 0 : i32
        %dma_wait3A_102 = tpu.memref_slice %arg10[%multiple_of3A, %dma_wait3A_101] : memref<10016x128xf32, #tpu.memory_space<vmem_shared>> -> memref<400x128xf32, #tpu.memory_space<vmem_shared>>
        tpu.wait_dma2 semaphore(%run_scoped3A : memref<!tpu.dma_semaphore, #tpu.memory_space<semaphore_mem>>) src(%dma_wait3A_102 : memref<400x128xf32, #tpu.memory_space<vmem_shared>>) dst(%dma_wait3A_100 : memref<400x128xf32, #tpu.memory_space<hbm>>)
        tpu.yield
      }) : () -> ()
    } else {
    }
    return
  }
}

module attributes {stable_mosaic.version = 14 : i64} {
  func.func @_ytab_body(%arg0: i32, %arg1: i32, %arg2: memref<10000x256xf32, #tpu.memory_space<vmem>>, %arg3: memref<1x8x32x32xf32, #tpu.memory_space<vmem>>, %arg4: memref<2x1x10000x128xf32, #tpu.memory_space<vmem>>, %arg5: memref<256x256xf32, #tpu.memory_space<vmem>>) attributes {dimension_semantics = [#tpu.dimension_semantics<arbitrary>, #tpu.dimension_semantics<arbitrary>], iteration_bounds = array<i64: 1, 16>, scalar_prefetch = 0 : i64, scratch_operands = 1 : i64, tpu.core_type = #tpu.core_type<tc>, window_params = [{transform_indices = @transform_0, window_bounds = array<i64: 10000, 256>}, {transform_indices = @transform_1, window_bounds = array<i64: 1, 8, 32, 32>}, {transform_indices = @transform_2, window_bounds = array<i64: 2, 1, 10000, 128>}]} {
    %broadcast_in_dim3A = arith.constant 0.000000e+00 : f32
    %broadcast_in_dim3A_0 = vector.broadcast %broadcast_in_dim3A : f32 to vector<256x256xf32>
    %swap3A = arith.constant 0 : index
    %swap3A_1 = arith.constant 0 : index
    %swap3A_2 = vector.load %arg5[%swap3A, %swap3A_1] : memref<256x256xf32, #tpu.memory_space<vmem>>, vector<256x256xf32>
    tpu.vector_store %arg5[%swap3A, %swap3A_1], %broadcast_in_dim3A_0 {strides = array<i32>} : memref<256x256xf32, #tpu.memory_space<vmem>>, vector<256x256xf32>,
    %get3A = arith.constant 0 : index
    %get3A_3 = arith.constant 0 : index
    %get3A_4 = arith.constant 0 : index
    %get3A_5 = arith.constant 0 : index
    %get3A_6 = vector.load %arg3[%get3A, %get3A_3, %get3A_4, %get3A_5] : memref<1x8x32x32xf32, #tpu.memory_space<vmem>>, vector<1x1x32x32xf32>
    %get3A_7 = vector.shape_cast %get3A_6 : vector<1x1x32x32xf32> to vector<32x32xf32>
    %swap3A_8 = arith.constant 0 : index
    %swap3A_9 = arith.constant 0 : index
    %swap3A_10 = vector.load %arg5[%swap3A_8, %swap3A_9] : memref<256x256xf32, #tpu.memory_space<vmem>>, vector<32x32xf32>
    tpu.vector_store %arg5[%swap3A_8, %swap3A_9], %get3A_7 {strides = array<i32>} : memref<256x256xf32, #tpu.memory_space<vmem>>, vector<32x32xf32>,
    %get3A_11 = arith.constant 0 : index
    %get3A_12 = arith.constant 1 : index
    %get3A_13 = arith.constant 0 : index
    %get3A_14 = arith.constant 0 : index
    %get3A_15 = vector.load %arg3[%get3A_11, %get3A_12, %get3A_13, %get3A_14] : memref<1x8x32x32xf32, #tpu.memory_space<vmem>>, vector<1x1x32x32xf32>
    %get3A_16 = vector.shape_cast %get3A_15 : vector<1x1x32x32xf32> to vector<32x32xf32>
    %swap3A_17 = arith.constant 32 : index
    %swap3A_18 = arith.constant 32 : index
    %swap3A_19 = vector.load %arg5[%swap3A_17, %swap3A_18] : memref<256x256xf32, #tpu.memory_space<vmem>>, vector<32x32xf32>
    tpu.vector_store %arg5[%swap3A_17, %swap3A_18], %get3A_16 {strides = array<i32>} : memref<256x256xf32, #tpu.memory_space<vmem>>, vector<32x32xf32>,
    %get3A_20 = arith.constant 0 : index
    %get3A_21 = arith.constant 2 : index
    %get3A_22 = arith.constant 0 : index
    %get3A_23 = arith.constant 0 : index
    %get3A_24 = vector.load %arg3[%get3A_20, %get3A_21, %get3A_22, %get3A_23] : memref<1x8x32x32xf32, #tpu.memory_space<vmem>>, vector<1x1x32x32xf32>
    %get3A_25 = vector.shape_cast %get3A_24 : vector<1x1x32x32xf32> to vector<32x32xf32>
    %swap3A_26 = arith.constant 64 : index
    %swap3A_27 = arith.constant 64 : index
    %swap3A_28 = vector.load %arg5[%swap3A_26, %swap3A_27] : memref<256x256xf32, #tpu.memory_space<vmem>>, vector<32x32xf32>
    tpu.vector_store %arg5[%swap3A_26, %swap3A_27], %get3A_25 {strides = array<i32>} : memref<256x256xf32, #tpu.memory_space<vmem>>, vector<32x32xf32>,
    %get3A_29 = arith.constant 0 : index
    %get3A_30 = arith.constant 3 : index
    %get3A_31 = arith.constant 0 : index
    %get3A_32 = arith.constant 0 : index
    %get3A_33 = vector.load %arg3[%get3A_29, %get3A_30, %get3A_31, %get3A_32] : memref<1x8x32x32xf32, #tpu.memory_space<vmem>>, vector<1x1x32x32xf32>
    %get3A_34 = vector.shape_cast %get3A_33 : vector<1x1x32x32xf32> to vector<32x32xf32>
    %swap3A_35 = arith.constant 96 : index
    %swap3A_36 = arith.constant 96 : index
    %swap3A_37 = vector.load %arg5[%swap3A_35, %swap3A_36] : memref<256x256xf32, #tpu.memory_space<vmem>>, vector<32x32xf32>
    tpu.vector_store %arg5[%swap3A_35, %swap3A_36], %get3A_34 {strides = array<i32>} : memref<256x256xf32, #tpu.memory_space<vmem>>, vector<32x32xf32>,
    %get3A_38 = arith.constant 0 : index
    %get3A_39 = arith.constant 4 : index
    %get3A_40 = arith.constant 0 : index
    %get3A_41 = arith.constant 0 : index
    %get3A_42 = vector.load %arg3[%get3A_38, %get3A_39, %get3A_40, %get3A_41] : memref<1x8x32x32xf32, #tpu.memory_space<vmem>>, vector<1x1x32x32xf32>
    %get3A_43 = vector.shape_cast %get3A_42 : vector<1x1x32x32xf32> to vector<32x32xf32>
    %swap3A_44 = arith.constant 128 : index
    %swap3A_45 = arith.constant 128 : index
    %swap3A_46 = vector.load %arg5[%swap3A_44, %swap3A_45] : memref<256x256xf32, #tpu.memory_space<vmem>>, vector<32x32xf32>
    tpu.vector_store %arg5[%swap3A_44, %swap3A_45], %get3A_43 {strides = array<i32>} : memref<256x256xf32, #tpu.memory_space<vmem>>, vector<32x32xf32>,
    %get3A_47 = arith.constant 0 : index
    %get3A_48 = arith.constant 5 : index
    %get3A_49 = arith.constant 0 : index
    %get3A_50 = arith.constant 0 : index
    %get3A_51 = vector.load %arg3[%get3A_47, %get3A_48, %get3A_49, %get3A_50] : memref<1x8x32x32xf32, #tpu.memory_space<vmem>>, vector<1x1x32x32xf32>
    %get3A_52 = vector.shape_cast %get3A_51 : vector<1x1x32x32xf32> to vector<32x32xf32>
    %swap3A_53 = arith.constant 160 : index
    %swap3A_54 = arith.constant 160 : index
    %swap3A_55 = vector.load %arg5[%swap3A_53, %swap3A_54] : memref<256x256xf32, #tpu.memory_space<vmem>>, vector<32x32xf32>
    tpu.vector_store %arg5[%swap3A_53, %swap3A_54], %get3A_52 {strides = array<i32>} : memref<256x256xf32, #tpu.memory_space<vmem>>, vector<32x32xf32>,
    %get3A_56 = arith.constant 0 : index
    %get3A_57 = arith.constant 6 : index
    %get3A_58 = arith.constant 0 : index
    %get3A_59 = arith.constant 0 : index
    %get3A_60 = vector.load %arg3[%get3A_56, %get3A_57, %get3A_58, %get3A_59] : memref<1x8x32x32xf32, #tpu.memory_space<vmem>>, vector<1x1x32x32xf32>
    %get3A_61 = vector.shape_cast %get3A_60 : vector<1x1x32x32xf32> to vector<32x32xf32>
    %swap3A_62 = arith.constant 192 : index
    %swap3A_63 = arith.constant 192 : index
    %swap3A_64 = vector.load %arg5[%swap3A_62, %swap3A_63] : memref<256x256xf32, #tpu.memory_space<vmem>>, vector<32x32xf32>
    tpu.vector_store %arg5[%swap3A_62, %swap3A_63], %get3A_61 {strides = array<i32>} : memref<256x256xf32, #tpu.memory_space<vmem>>, vector<32x32xf32>,
    %get3A_65 = arith.constant 0 : index
    %get3A_66 = arith.constant 7 : index
    %get3A_67 = arith.constant 0 : index
    %get3A_68 = arith.constant 0 : index
    %get3A_69 = vector.load %arg3[%get3A_65, %get3A_66, %get3A_67, %get3A_68] : memref<1x8x32x32xf32, #tpu.memory_space<vmem>>, vector<1x1x32x32xf32>
    %get3A_70 = vector.shape_cast %get3A_69 : vector<1x1x32x32xf32> to vector<32x32xf32>
    %swap3A_71 = arith.constant 224 : index
    %swap3A_72 = arith.constant 224 : index
    %swap3A_73 = vector.load %arg5[%swap3A_71, %swap3A_72] : memref<256x256xf32, #tpu.memory_space<vmem>>, vector<32x32xf32>
    tpu.vector_store %arg5[%swap3A_71, %swap3A_72], %get3A_70 {strides = array<i32>} : memref<256x256xf32, #tpu.memory_space<vmem>>, vector<32x32xf32>,
    %get3A_74 = arith.constant 0 : index
    %get3A_75 = arith.constant 0 : index
    %get3A_76 = vector.load %arg2[%get3A_74, %get3A_75] : memref<10000x256xf32, #tpu.memory_space<vmem>>, vector<10000x256xf32>
    %get3A_77 = arith.constant 0 : index
    %get3A_78 = arith.constant 0 : index
    %get3A_79 = vector.load %arg5[%get3A_77, %get3A_78] : memref<256x256xf32, #tpu.memory_space<vmem>>, vector<256x256xf32>
    %dot_general3A = arith.constant dense<0.000000e+00> : vector<10000x256xf32>
    %dot_general3A_80 = tpu.matmul %get3A_76, %get3A_79, %dot_general3A {dimension_numbers = #tpu.dot_dimension_numbers<[1], [0], [0], [1], [0, 0, 1, 1], [], []>, transpose_lhs_hint = false} : vector<10000x256xf32>, vector<256x256xf32>, vector<10000x256xf32> -> vector<10000x256xf32>
    %slice3A = vector.extract_strided_slice %dot_general3A_80 {offsets = [0, 0], sizes = [10000, 128], strides = [1, 1]} : vector<10000x256xf32> to vector<10000x128xf32>
    %swap3A_81 = arith.constant 0 : index
    %swap3A_82 = arith.constant 0 : index
    %swap3A_83 = arith.constant 0 : index
    %swap3A_84 = arith.constant 0 : index
    %swap3A_85 = vector.load %arg4[%swap3A_81, %swap3A_82, %swap3A_83, %swap3A_84] : memref<2x1x10000x128xf32, #tpu.memory_space<vmem>>, vector<1x1x10000x128xf32>
    %swap3A_86 = vector.shape_cast %swap3A_85 : vector<1x1x10000x128xf32> to vector<10000x128xf32>
    %swap3A_87 = vector.shape_cast %slice3A : vector<10000x128xf32> to vector<1x1x10000x128xf32>
    tpu.vector_store %arg4[%swap3A_81, %swap3A_82, %swap3A_83, %swap3A_84], %swap3A_87 {strides = array<i32>} : memref<2x1x10000x128xf32, #tpu.memory_space<vmem>>, vector<1x1x10000x128xf32>,
    %slice3A_88 = vector.extract_strided_slice %dot_general3A_80 {offsets = [0, 128], sizes = [10000, 128], strides = [1, 1]} : vector<10000x256xf32> to vector<10000x128xf32>
    %swap3A_89 = arith.constant 1 : index
    %swap3A_90 = arith.constant 0 : index
    %swap3A_91 = arith.constant 0 : index
    %swap3A_92 = arith.constant 0 : index
    %swap3A_93 = vector.load %arg4[%swap3A_89, %swap3A_90, %swap3A_91, %swap3A_92] : memref<2x1x10000x128xf32, #tpu.memory_space<vmem>>, vector<1x1x10000x128xf32>
    %swap3A_94 = vector.shape_cast %swap3A_93 : vector<1x1x10000x128xf32> to vector<10000x128xf32>
    %swap3A_95 = vector.shape_cast %slice3A_88 : vector<10000x128xf32> to vector<1x1x10000x128xf32>
    tpu.vector_store %arg4[%swap3A_89, %swap3A_90, %swap3A_91, %swap3A_92], %swap3A_95 {strides = array<i32>} : memref<2x1x10000x128xf32, #tpu.memory_space<vmem>>, vector<1x1x10000x128xf32>,
    return
  }
  func.func @transform_0(%arg0: i32, %arg1: i32) -> (i32, i32) {
    %c0_i32 = arith.constant 0 : i32
    %c0_i32_0 = arith.constant 0 : i32
    return %arg0, %c0_i32 : i32, i32
  }
  func.func @transform_1(%arg0: i32, %arg1: i32) -> (i32, i32, i32, i32) {
    %c0_i32 = arith.constant 0 : i32
    %c0_i32_0 = arith.constant 0 : i32
    %c0_i32_1 = arith.constant 0 : i32
    %c0_i32_2 = arith.constant 0 : i32
    return %arg1, %c0_i32, %c0_i32_0, %c0_i32_1 : i32, i32, i32, i32
  }
  func.func @transform_2(%arg0: i32, %arg1: i32) -> (i32, i32, i32, i32) {
    %c0_i32 = arith.constant 0 : i32
    %c0_i32_0 = arith.constant 0 : i32
    %c0_i32_1 = arith.constant 0 : i32
    return %c0_i32, %arg1, %arg0, %c0_i32_0 : i32, i32, i32, i32
  }
}

module attributes {stable_mosaic.version = 14 : i64} {
  func.func @_selfloop_body(%arg0: i32, %arg1: memref<2000x256xf32, #tpu.memory_space<vmem>>, %arg2: memref<256x256xf32, #tpu.memory_space<vmem>>, %arg3: memref<2000x256xf32, #tpu.memory_space<vmem>>) attributes {dimension_semantics = [#tpu.dimension_semantics<arbitrary>], iteration_bounds = array<i64: 5>, scalar_prefetch = 0 : i64, scratch_operands = 0 : i64, tpu.core_type = #tpu.core_type<tc>, window_params = [{transform_indices = @transform_0, window_bounds = array<i64: 2000, 256>}, {pipeline_mode = #tpu.pipeline_mode<synchronous>, transform_indices = @transform_1, window_bounds = array<i64: 256, 256>}, {transform_indices = @transform_2, window_bounds = array<i64: 2000, 256>}]} {
    %get3A = arith.constant 0 : index
    %get3A_0 = arith.constant 0 : index
    %get3A_1 = vector.load %arg1[%get3A, %get3A_0] : memref<2000x256xf32, #tpu.memory_space<vmem>>, vector<2000x256xf32>
    %get3A_2 = arith.constant 0 : index
    %get3A_3 = arith.constant 0 : index
    %get3A_4 = vector.load %arg2[%get3A_2, %get3A_3] : memref<256x256xf32, #tpu.memory_space<vmem>>, vector<256x256xf32>
    %dot_general3A = arith.constant dense<0.000000e+00> : vector<2000x256xf32>
    %dot_general3A_5 = tpu.matmul %get3A_1, %get3A_4, %dot_general3A {dimension_numbers = #tpu.dot_dimension_numbers<[1], [0], [0], [1], [0, 0, 1, 1], [], []>, transpose_lhs_hint = false} : vector<2000x256xf32>, vector<256x256xf32>, vector<2000x256xf32> -> vector<2000x256xf32>
    %swap3A = arith.constant 0 : index
    %swap3A_6 = arith.constant 0 : index
    %swap3A_7 = vector.load %arg3[%swap3A, %swap3A_6] : memref<2000x256xf32, #tpu.memory_space<vmem>>, vector<2000x256xf32>
    tpu.vector_store %arg3[%swap3A, %swap3A_6], %dot_general3A_5 {strides = array<i32>} : memref<2000x256xf32, #tpu.memory_space<vmem>>, vector<2000x256xf32>,
    return
  }
  func.func @transform_0(%arg0: i32) -> (i32, i32) {
    %c0_i32 = arith.constant 0 : i32
    %c0_i32_0 = arith.constant 0 : i32
    return %arg0, %c0_i32 : i32, i32
  }
  func.func @transform_1(%arg0: i32) -> (i32, i32) {
    %c0_i32 = arith.constant 0 : i32
    %c0_i32_0 = arith.constant 0 : i32
    %c0_i32_1 = arith.constant 0 : i32
    return %c0_i32, %c0_i32_0 : i32, i32
  }
  func.func @transform_2(%arg0: i32) -> (i32, i32) {
    %c0_i32 = arith.constant 0 : i32
    %c0_i32_0 = arith.constant 0 : i32
    return %arg0, %c0_i32 : i32, i32
  }
}

module attributes {stable_mosaic.version = 14 : i64} {
  func.func @_final_body(%arg0: i32, %arg1: memref<2x2000x128xf32, #tpu.memory_space<vmem>>, %arg2: memref<2000x256xf32, #tpu.memory_space<vmem>>, %arg3: memref<2x256xf32, #tpu.memory_space<vmem>>, %arg4: memref<2000x256xf32, #tpu.memory_space<vmem>>) attributes {dimension_semantics = [#tpu.dimension_semantics<arbitrary>], iteration_bounds = array<i64: 5>, scalar_prefetch = 0 : i64, scratch_operands = 0 : i64, tpu.core_type = #tpu.core_type<tc>, window_params = [{transform_indices = @transform_0, window_bounds = array<i64: 2, 2000, 128>}, {transform_indices = @transform_1, window_bounds = array<i64: 2000, 256>}, {pipeline_mode = #tpu.pipeline_mode<synchronous>, transform_indices = @transform_2, window_bounds = array<i64: 2, 256>}, {transform_indices = @transform_3, window_bounds = array<i64: 2000, 256>}]} {
    %get3A = arith.constant 0 : index
    %get3A_0 = arith.constant 0 : index
    %get3A_1 = arith.constant 0 : index
    %get3A_2 = vector.load %arg1[%get3A, %get3A_0, %get3A_1] : memref<2x2000x128xf32, #tpu.memory_space<vmem>>, vector<1x2000x128xf32>
    %get3A_3 = vector.shape_cast %get3A_2 : vector<1x2000x128xf32> to vector<2000x128xf32>
    %get3A_4 = arith.constant 1 : index
    %get3A_5 = arith.constant 0 : index
    %get3A_6 = arith.constant 0 : index
    %get3A_7 = vector.load %arg1[%get3A_4, %get3A_5, %get3A_6] : memref<2x2000x128xf32, #tpu.memory_space<vmem>>, vector<1x2000x128xf32>
    %get3A_8 = vector.shape_cast %get3A_7 : vector<1x2000x128xf32> to vector<2000x128xf32>
    %concatenate3A = tpu.concatenate %get3A_3, %get3A_8 in 1 : vector<2000x128xf32>, vector<2000x128xf32> -> vector<2000x256xf32>
    %reduce_sum3A = arith.constant dense<0.000000e+00> : vector<2000xf32>
    %reduce_sum3A_9 = vector.multi_reduction <add>, %concatenate3A, %reduce_sum3A [1] : vector<2000x256xf32> to vector<2000xf32>
    %broadcast_in_dim3A = vector.shape_cast %reduce_sum3A_9 : vector<2000xf32> to vector<2000x1xf32>
    %div3A = arith.constant 2.560000e+02 : f32
    %div3A_10 = vector.broadcast %div3A : f32 to vector<2000x1xf32>
    %div3A_11 = arith.divf %broadcast_in_dim3A, %div3A_10 : vector<2000x1xf32>
    %sub3A = vector.broadcast %div3A_11 : vector<2000x1xf32> to vector<2000x256xf32>
    %sub3A_12 = arith.subf %concatenate3A, %sub3A : vector<2000x256xf32>
    %sub3A_13 = vector.broadcast %div3A_11 : vector<2000x1xf32> to vector<2000x256xf32>
    %sub3A_14 = arith.subf %concatenate3A, %sub3A_13 : vector<2000x256xf32>
    %mul3A = arith.mulf %sub3A_12, %sub3A_14 : vector<2000x256xf32>
    %reduce_sum3A_15 = arith.constant dense<0.000000e+00> : vector<2000xf32>
    %reduce_sum3A_16 = vector.multi_reduction <add>, %mul3A, %reduce_sum3A_15 [1] : vector<2000x256xf32> to vector<2000xf32>
    %broadcast_in_dim3A_17 = vector.shape_cast %reduce_sum3A_16 : vector<2000xf32> to vector<2000x1xf32>
    %div3A_18 = arith.constant 2.560000e+02 : f32
    %div3A_19 = vector.broadcast %div3A_18 : f32 to vector<2000x1xf32>
    %div3A_20 = arith.divf %broadcast_in_dim3A_17, %div3A_19 : vector<2000x1xf32>
    %sub3A_21 = vector.broadcast %div3A_11 : vector<2000x1xf32> to vector<2000x256xf32>
    %sub3A_22 = arith.subf %concatenate3A, %sub3A_21 : vector<2000x256xf32>
    %add3A = arith.constant 9.99999974E-6 : f32
    %add3A_23 = vector.broadcast %add3A : f32 to vector<2000x1xf32>
    %add3A_24 = arith.addf %div3A_20, %add3A_23 : vector<2000x1xf32>
    %rsqrt3A = math.rsqrt %add3A_24 : vector<2000x1xf32>
    %mul3A_25 = vector.broadcast %rsqrt3A : vector<2000x1xf32> to vector<2000x256xf32>
    %mul3A_26 = arith.mulf %sub3A_22, %mul3A_25 : vector<2000x256xf32>
    %get3A_27 = arith.constant 0 : index
    %get3A_28 = arith.constant 0 : index
    %get3A_29 = vector.load %arg3[%get3A_27, %get3A_28] : memref<2x256xf32, #tpu.memory_space<vmem>>, vector<1x256xf32>
    %get3A_30 = vector.shape_cast %get3A_29 : vector<1x256xf32> to vector<256xf32>
    %broadcast_in_dim3A_31 = vector.shape_cast %get3A_30 : vector<256xf32> to vector<1x256xf32>
    %mul3A_32 = vector.broadcast %broadcast_in_dim3A_31 : vector<1x256xf32> to vector<2000x256xf32>
    %mul3A_33 = arith.mulf %mul3A_26, %mul3A_32 : vector<2000x256xf32>
    %get3A_34 = arith.constant 1 : index
    %get3A_35 = arith.constant 0 : index
    %get3A_36 = vector.load %arg3[%get3A_34, %get3A_35] : memref<2x256xf32, #tpu.memory_space<vmem>>, vector<1x256xf32>
    %get3A_37 = vector.shape_cast %get3A_36 : vector<1x256xf32> to vector<256xf32>
    %broadcast_in_dim3A_38 = vector.shape_cast %get3A_37 : vector<256xf32> to vector<1x256xf32>
    %add3A_39 = vector.broadcast %broadcast_in_dim3A_38 : vector<1x256xf32> to vector<2000x256xf32>
    %add3A_40 = arith.addf %mul3A_33, %add3A_39 : vector<2000x256xf32>
    %get3A_41 = arith.constant 0 : index
    %get3A_42 = arith.constant 0 : index
    %get3A_43 = vector.load %arg2[%get3A_41, %get3A_42] : memref<2000x256xf32, #tpu.memory_space<vmem>>, vector<2000x256xf32>
    %add3A_44 = arith.addf %add3A_40, %get3A_43 : vector<2000x256xf32>
    %swap3A = arith.constant 0 : index
    %swap3A_45 = arith.constant 0 : index
    %swap3A_46 = vector.load %arg4[%swap3A, %swap3A_45] : memref<2000x256xf32, #tpu.memory_space<vmem>>, vector<2000x256xf32>
    tpu.vector_store %arg4[%swap3A, %swap3A_45], %add3A_44 {strides = array<i32>} : memref<2000x256xf32, #tpu.memory_space<vmem>>, vector<2000x256xf32>,
    return
  }
  func.func @transform_0(%arg0: i32) -> (i32, i32, i32) {
    %c0_i32 = arith.constant 0 : i32
    %c0_i32_0 = arith.constant 0 : i32
    %c0_i32_1 = arith.constant 0 : i32
    return %c0_i32, %arg0, %c0_i32_0 : i32, i32, i32
  }
  func.func @transform_1(%arg0: i32) -> (i32, i32) {
    %c0_i32 = arith.constant 0 : i32
    %c0_i32_0 = arith.constant 0 : i32
    return %arg0, %c0_i32 : i32, i32
  }
  func.func @transform_2(%arg0: i32) -> (i32, i32) {
    %c0_i32 = arith.constant 0 : i32
    %c0_i32_0 = arith.constant 0 : i32
    %c0_i32_1 = arith.constant 0 : i32
    return %c0_i32, %c0_i32_0 : i32, i32
  }
  func.func @transform_3(%arg0: i32) -> (i32, i32) {
    %c0_i32 = arith.constant 0 : i32
    %c0_i32_0 = arith.constant 0 : i32
    return %arg0, %c0_i32 : i32, i32
  }
}

</mosaic_0001>

<sc_bundles>
// kernel: kernel.6.cloned.1.call-start
scs
__scs_entry_jumppad:
0x0: {  	(pc) =	sbr.rel $0x88, $3  }
0x1: {  	(tag) =	ssettag $0x0;
	lr =	simm.s32 $0x1  }
0x2: {  	[smem:$0x3F99] =	sst lr;
	_ =	strace $0xD0000000  }
0x3: {  	_ = 	snop  }
0x4: {  	_ = 	snop  }
0x5: {  	_ = 	snop  }
0x6: {  	_ = 	snop  }
0x7: {  	_ = 	snop  }
__scs_overlays_trampoline_lowered:
0x8: {  	[smem:$0x3FA8] =	sst s0  }
0x9: {  	[smem:$0x3FA9] =	sst s1  }
0xa: {  	[smem:$0x3FAA] =	sst s2  }
0xb: {  	[smem:$0x3FAB] =	sst s3  }
0xc: {  	[smem:$0x3FAC] =	sst s4  }
0xd: {  	[smem:$0x3FAD] =	sst s5  }
0xe: {  	[smem:$0x3FAE] =	sst s6  }
0xf: {  	[smem:$0x3FAF] =	sst s7  }
0x10: {  	[smem:$0x3FB0] =	sst s8  }
0x11: {  	[smem:$0x3FB1] =	sst s9;
	s0 =	simm.s32 @!p0 $0x0  }
0x12: {  	s1 =	sld [smem:$0x3F97];
	s0 =	simm.s32 @p0 $0x1  }
0x13: {  	[smem:$0x3FB2] =	sst s0;
	s0 =	simm.s32 @!p1 $0x0  }
0x14: {  	s2 =	sld [smem:$0x3F96];
	s0 =	simm.s32 @p1 $0x1  }
0x15: {  	[smem:$0x3FB3] =	sst s0;
	s0 =	simm.s32 @!p2 $0x0  }
0x16: {  	s3 =	sld [smem:$0x3FDB];
	s0 =	simm.s32 @p2 $0x1  }
0x17: {  	s4 =	simm.s32 $0x1BF5;
	[smem:$0x3FB5] =	sst s0  }
0x18: {  	s0 =	sld [smem:$0x3F98];
	_ =	swait.ge [sflag:s4], $0x0  }
0x19: {  	s7 =	sld [smem:$0x3F99]  }
0x1a: {  	s8 =	sadd.s32 $0xFFFFE003, lr  }
0x1b: {  	s9 =	sadd.s32 $0xFFFFFEF7, lr;
	s5 =	simm.s32 $0xFFFFFFFF;
	p2 =	slt.u32 s8, $0xFFFFF086  }
0x1c: {  	p1 =	slt.u32 s9, $0xF7A;
	s5 =	simm.s32 @!p2 $0x0  }
0x1d: {  	s5 =	simm.s32 @p1 $0x1;
	p0 =	seq.s32 s7, s2  }
0x1e: {  	s7 =	smul.u32 @!p0 $0xF7A, s2;
	p2 =	seq.s32 @!p0 s5, $0x0  }
0x1f: {  	s9 =	smul.u32 $0xF7A, s1;
	s8 =	simm.s32 @!p0 $0x1BF5;
	p2 =	por !p2, p0  }
0x20: {  	[sflag:s8] =	ssyncset.s32 @!p0 $0xFFFFF086;
	s6 =	sadd.s32 @!p0 s3, s7;
	s7 =	simm.s32 @!p0 $0x108  }
0x21: {  	s3 =	sadd.s32 s3, s9;
	s6 =	sadd.s32 @!p0 $0x88, s6;
	s7 =	simm.s32 @p2 $0x1082  }
0x22: {  	[simem:s7], [sflag:s8] =	dma.local @!p0 [hbm:s6], $0xF7A  }
0x23: {  	s9 =	sor.u32 $0xD0000000, s2;
	s6 =	simm.s32 $0x108;
	_ =	swait.ge @!p0 [sflag:s8], $0x0  }
0x24: {  	s3 =	sadd.s32 $0x88, s3;
	s6 =	simm.s32 @!p1 $0x1082;
	[sflag:s4] =	ssyncset.s32 $0xFFFFF086  }
0x25: {  	[simem:s6], [sflag:s4] =	dma.local [hbm:s3], $0xF7A  }
0x26: {  	[smem:$0x3F99] =	sst s1;
	(tag) =	ssettag s2;
	_ =	strace s9  }
0x27: {  	s1 =	sld [smem:$0x3FA9]  }
0x28: {  	s2 =	sld [smem:$0x3FAA]  }
0x29: {  	s4 =	sld [smem:$0x3FAC]  }
0x2a: {  	p0 =	seq.s32 s5, $0x0;
	s5 =	sld [smem:$0x3FAD]  }
0x2b: {  	s6 =	sld [smem:$0x3FAE]  }
0x2c: {  	s7 =	sld [smem:$0x3FAF]  }
0x2d: {  	s3 =	simm.s32 $0x108;
	s8 =	sld [smem:$0x3FB0]  }
0x2e: {  	s3 =	simm.s32 @!p0 $0x1082;
	s9 =	sld [smem:$0x3FB1]  }
0x2f: {  	lr =	sadd.s32 s0, s3;
	s0 =	sld [smem:$0x3FA8]  }
0x30: {  	s3 =	sld [smem:$0x3FAB]  }
0x31: {  	[smem:$0x3FB4] =	sst s10  }
0x32: {  	s10 =	sld [smem:$0x3FB2];
	_ =	sdelay $0x3  }
0x33: {  	p0 =	seq.s32 s10, $0x1;
	s10 =	sld [smem:$0x3FB4];
	_ =	sdelay $0x3  }
0x34: {  	[smem:$0x3FB4] =	sst s10  }
0x35: {  	s10 =	sld [smem:$0x3FB3];
	_ =	sdelay $0x3  }
0x36: {  	p1 =	seq.s32 s10, $0x1;
	s10 =	sld [smem:$0x3FB4];
	_ =	sdelay $0x3  }
0x37: {  	[smem:$0x3FB4] =	sst s10  }
0x38: {  	s10 =	sld [smem:$0x3FB5]  }
0x39: {  	_ = 	snop;
	(pc) =	sbr.ind lr, $3  }
0x3a: {  	_ = 	snop  }
0x3b: {  	_ = 	snop  }
0x3c: {  	p2 =	seq.s32 s10, $0x1;
	s10 =	sld [smem:$0x3FB4]  }
0x3d: {  	_ =	shalt  }
0x3e: {  	_ =	shalt  }
0x3f: {  	_ =	shalt  }
0x40: {  	_ =	shalt  }
0x41: {  	_ =	shalt  }
0x42: {  	_ =	shalt  }
0x43: {  	_ =	shalt  }
0x44: {  	_ =	shalt  }
0x45: {  	_ =	shalt  }
0x46: {  	_ =	shalt  }
0x47: {  	_ =	shalt  }
0x48: {  	_ =	shalt  }
0x49: {  	_ =	shalt  }
0x4a: {  	_ =	shalt  }
0x4b: {  	_ =	shalt  }
0x4c: {  	_ =	shalt  }
0x4d: {  	_ =	shalt  }
0x4e: {  	_ =	shalt  }
0x4f: {  	_ =	shalt  }
0x50: {  	_ =	shalt  }
0x51: {  	_ =	shalt  }
0x52: {  	_ =	shalt  }
0x53: {  	_ =	shalt  }
0x54: {  	_ =	shalt  }
0x55: {  	_ =	shalt  }
0x56: {  	_ =	shalt  }
0x57: {  	_ =	shalt  }
0x58: {  	_ =	shalt  }
0x59: {  	_ =	shalt  }
0x5a: {  	_ =	shalt  }
0x5b: {  	_ =	shalt  }
0x5c: {  	_ =	shalt  }
0x5d: {  	_ =	shalt  }
0x5e: {  	_ =	shalt  }
0x5f: {  	_ =	shalt  }
0x60: {  	_ =	shalt  }
0x61: {  	_ =	shalt  }
0x62: {  	_ =	shalt  }
0x63: {  	_ =	shalt  }
0x64: {  	_ =	shalt  }
0x65: {  	_ =	shalt  }
0x66: {  	_ =	shalt  }
0x67: {  	_ =	shalt  }
0x68: {  	_ =	shalt  }
0x69: {  	_ =	shalt  }
0x6a: {  	_ =	shalt  }
0x6b: {  	_ =	shalt  }
0x6c: {  	_ =	shalt  }
0x6d: {  	_ =	shalt  }
0x6e: {  	_ =	shalt  }
0x6f: {  	_ =	shalt  }
0x70: {  	_ =	shalt  }
0x71: {  	_ =	shalt  }
0x72: {  	_ =	shalt  }
0x73: {  	_ =	shalt  }
0x74: {  	_ =	shalt  }
0x75: {  	_ =	shalt  }
0x76: {  	_ =	shalt  }
0x77: {  	_ =	shalt  }
0x78: {  	_ =	shalt  }
0x79: {  	_ =	shalt  }
0x7a: {  	_ =	shalt  }
0x7b: {  	_ =	shalt  }
0x7c: {  	_ =	shalt  }
0x7d: {  	_ =	shalt  }
0x7e: {  	_ =	shalt  }
0x7f: {  	_ =	shalt  }
0x80: {  	_ =	shalt  }
0x81: {  	_ =	shalt  }
0x82: {  	_ =	shalt  }
0x83: {  	_ =	shalt  }
0x84: {  	_ =	shalt  }
0x85: {  	_ =	shalt  }
0x86: {  	_ =	shalt  }
0x87: {  	_ =	shalt  }
.Lfunc_end0:
.L_simem_size_0:
called_computation_lowered:
.L_overlay_start_0:
0x88: {  	s2 =	sld [smem:$0x3FD9]  }
0x89: {  	s3 =	sld [smem:$0x3FFE];
	_ =	sdelay $0x1  }
0x8a: {  	s1 =	srdreg.scid  }
0x8b: {  	s0 =	sand.u32 $0x1, s1  }
0x8c: {  	s17 =	sshll.u32 s0, $0xA;
	s2 =	sadd.s32 s3, s2  }
0x8d: {  	s2 =	sadd.s32 s2, s17  }
0x8e: {  	[smem:$0x3FC0] =	sst s2  }
0x8f: {  	_ = 	snop  }
0x90: {  	s2 =	sld [smem:$0x3FD0];
	(tm) =	ssettm $0x1  }
0x91: {  	s18 =	sld [smem:$0x3FFB];
	_ =	sdelay $0x3  }
0x92: {  	_ =	strace s18  }
0x93: {  	s3 =	sld [smem:$0x3FFC];
	_ =	sdelay $0x3  }
0x94: {  	_ =	strace s3  }
0x95: {  	s3 =	sld [smem:$0x3FFD];
	_ =	sdelay $0x3  }
0x96: {  	_ =	strace s3  }
0x97: {  	_ =	strace $0x8FFFFFFF  }
0x98: {  	s19 =	sld [smem:$0x3FDB];
	_ =	sdelay $0x1  }
0x99: {  	s4 =	simm.s32 $_scs_section_size  }
0x9a: {  	s5 =	simm.s32 $_size__tile_overlayer_lowered;
	s6 =	simm.s32 $_tile_overlayer_lowered  }
0x9b: {  	s22 =	simm.s32 $0x1BFF;
	s21 =	sshll.u32 s6, $0x1;
	s3 =	sadd.s32 s4, s19  }
0x9c: {  	s7 =	simm.s32 $0x0;
	s20 =	sshll.u32 s5, $0x1;
	s5 =	sadd.s32 s21, s3  }
0x9d: {  	[timem:s7], [sflag:s22] =	dma.local [hbm:s5], s20  }
0x9e: {  	_ =	swait.ge [sflag:s22], s20  }
0x9f: {  	s4 =	ssub.s32 $0x0, s20;
	[sflag:s22] =	ssyncset.done $0x0  }
0xa0: {  	[sflag:s22] =	ssyncadd.s32 s4;
	_ =	sdelay $0x1  }
0xa1: {  	s23 =	simm.s32 $0x1B8B  }
0xa2: {  	_ =	swait.ge [sflag:s23], $0x1  }
0xa3: {  	[sflag:s23] =	ssyncset.done $0x0  }
0xa4: {  	s25 =	simm.s32 $0x1B8E;
	s24 =	sld [smem:$0x3FFE];
	[sflag:s23] =	ssyncadd.s32 $0xFFFFFFFF  }
0xa5: {  	s26 =	simm.s32 $execute0_lowered;
	[smem:$0x3FD2] =	sst s25  }
0xa6: {  	s5 =	sshll.u32 s26, $0x1;
	_ =	strace $0x80000046;
	[dreg:$0x1] =	wrdreg $0xFFFFFFFF  }
0xa7: {  	s28 =	simm.s32 $_size_execute0_lowered;
	s3 =	sadd.s32 s3, s5;
	[dreg:$0x0] =	wrdreg $0x0  }
0xa8: {  	s5 =	sshll.u32 s28, $0x1;
	[dreg:$0x2] =	wrdreg s3  }
0xa9: {  	[dreg:$0x3] =	wrdreg s5  }
0xaa: {  	[dreg:$0x4] =	wrdreg $0xC0  }
0xab: {  	_ =	task [dreg:s7], $0x5FFFF  }
0xac: {  	[dreg:$0x1] =	wrdreg $0xFFFFFFFF  }
0xad: {  	[dreg:$0x0] =	wrdreg $0x60  }
0xae: {  	[dreg:$0x2] =	wrdreg s24  }
0xaf: {  	[dreg:$0x3] =	wrdreg s2  }
0xb0: {  	[dreg:$0x4] =	wrdreg $0xA8000  }
0xb1: {  	[dreg:$0x5] =	wrdreg $0x9  }
0xb2: {  	_ =	task.clear_ibuf [dreg:s7], $0x6FFFF;
	_ =	strace $0x90000046  }
0xb3: {  	s29 =	simm.s32 $0x9;
	_ =	strace $0x80000048  }
0xb4: {  	_ =	swait.ge [sflag:s29], $0x1  }
0xb5: {  	[sflag:s29] =	ssyncadd.s32 $0xFFFFFFFF  }
0xb6: {  	_ =	strace $0x90000048  }
0xb7: {  	_ =	sfence  }
0xb8: {  	s30 =	sld [smem:$0x0];
	_ =	sdelay $0x2  }
0xb9: {  	s31 =	sshll.u32 s1, $0xD;
	s1 =	sshrl.u32 s1, $0x2  }
0xba: {  	s3 =	sand.u32 $0x4000, s31;
	s1 =	sadd.s32 s1, s30  }
0xbb: {  	s0 =	sor.u32 s3, s0;
	s1 =	sshll.u32 s1, $0x11  }
0xbc: {  	s0 =	sor.u32 s1, s0  }
0xbd: {  	s0 =	sadd.s32 $0x8F2B, s0  }
0xbe: {  	[sflag:s0] =	ssyncadd.remote.s32 $0x1  }
0xbf: {  	_ =	sfence.sel $0xFFFF  }
0xc0: {  	[dreg:$0x0] =	wrdreg $0xFFFFFFFF;
	(pc) =	sbr.abs _section_cstart, $3  }
0xc1: {  	[dreg:$0x1] =	wrdreg $0xFFFFFFFF  }
0xc2: {  	_ =	task.clear_ibuf [dreg:s7], $0x2FFFF;
	_ =	strace $0x9FFFFFFF  }
0xc3: {  	(tm) =	ssettm $0x7FFFFFFF  }
tec
execute0_lowered:
.L_overlay_start_1:
0x0: {  	(tag) =	ssettag $0x1  }
0x1: {  	s5 =	rddreg [dreg:$0x0]  }
0x2: {  	s10 =	rddreg [dreg:$0x1]  }
0x3: {  	s0 =	srdreg.scid;
	s2 =	rddreg [dreg:$0x2]  }
0x4: {  	s1 =	rddreg [dreg:$0x3];
	s3 =	simm.s32 $0x0;
	s6 =	sand.u32 $0x1, s0  }
0x5: {  	s18 =	simm.s32 $0x80;
	s0 =	stileid.u32;
	s4 =	smul.u32 $0x500, s6  }
0x6: {  	s19 =	simm.s32 $0x2800;
	s20 =	simm.s32 $0x6800;
	s7 =	smul.u32 $0x50, s0  }
0x7: {  	s21 =	simm.s32 $0x1;
	s22 =	simm.s32 $0x3;
	s11 =	smul.u32 $0x50000, s0  }
0x8: {  	s23 =	simm.s32 $0x2;
	s24 =	simm.s32 $0x2700;
	s13 =	smul.u32 $0x500, s0  }
0x9: {  	s25 =	simm.s32 $0x2780;
	[smem:$0x7FF] =	sst s3;
	s29 =	smul.u32 $0x2800, s0  }
0xa: {  	s9 =	sadd.s32 $0xE00, s5;
	s14 =	sadd.s32 $0x12C000, s2;
	s16 =	smul.u32 $0x138800, s6  }
0xb: {  	_ =	strace $0x80000047;
	s26 =	ssub.s32 $0x2, s6;
	s17 =	smul.u32 $0x14000, s0  }
0xc: {  	p0 =	seq.s32 s0, $0xF;
	s12 =	sshrl.u32 s26, $0x1;
	s4 =	sadd.s32 s7, s4  }
0xd: {  	s12 =	ssub.s32 s26, s12;
	s28 =	sshrl.u32 s11, $0x2;
	s11 =	sshrl.u32 s29, $0x3  }
0xe: {  	s30 =	sadd.s32 s17, s16;
	s31 =	sshrl.u32 s16, $0x3;
	s16 =	sshll.u32 @!p0 s0, $0x6  }
0xf: {  	s17 =	simm.s32 $0x1400;
	s26 =	simm.s32 $0x0;
	s7 =	sshll.u32 s4, $0x4  }
0x10: {  	s4 =	sadd.s32 $0xFE00, s5;
	s15 =	sadd.s32 s28, s2;
	s12 =	smax.u32 s12, $0x1  }
0x11: {  	s8 =	sadd.s32 s7, s5;
	s5 =	sadd.s32 $0x4F1E00, s5;
	s7 =	sadd.s32 s9, s13  }
0x12: {  	s9 =	sadd.s32 s9, s11;
	s11 =	sshrl.u32 s30, $0x3;
	s13 =	sadd.s32 s10, s31  }
0x13: {  	s15 =	sshrl.u32 @!p0 s15, $0x3;
	s6 =	sadd.s32 $0x5E00, s8;
	s8 =	sadd.s32 $0x6080, s8  }
0x14: {  	s9 =	sadd.s32 $0x280, s9;
	s10 =	sadd.s32 s10, s11;
	s11 =	sadd.s32 $0x25800, s13  }
0x15: {  	s13 =	sshrl.u32 @p0 s14, $0x3;
	s14 =	sor.u32 @!p0 $0x1C04, s16;
	s16 =	simm.s32 $0x4  }
.LBB2_1:
0x16: {  	s28 =	simm.s32 @p0 $0x1FC4  }
0x17: {  	[spmem:s13], [sflag:s28] =	dma.local @p0 [hbm:s5], $0x1900  }
0x18: {  	s28 =	simm.s32 @p0 $0x4  }
0x19: {  	_ =	swait.ge @p0 [sflag:s28], $0x1900  }
0x1a: {  	[sflag:s28] =	ssyncset.done @p0 $0x0  }
0x1b: {  	[sflag:s28] =	ssyncadd.s32 @p0 $0xFFFFE700;
	s28 =	simm.s32 @!p0 $0x4  }
0x1c: {  	[spmem:s15], [sflag:s14] =	dma.local @!p0 [hbm:s5], $0x2800  }
0x1d: {  	_ =	swait.ge @!p0 [sflag:s28], $0x2800  }
0x1e: {  	[sflag:s28] =	ssyncset.done @!p0 $0x0  }
0x1f: {  	[sflag:s28] =	ssyncadd.s32 @!p0 $0xFFFFD800  }
0x20: {  	[bflag:$0x0] =	sbarrier.arrive $0xFFFF  }
0x21: {  	[tilespmem:s3], [sflag:$0x4] =	stream.linear.gather [hbm4b:s6+s3], $0x1400, $0x38;
	[tilespmem:$0x1E100] =	vst v63  }
0x22: {  	_ =	swait.ge [sflag:s16], $0x1400  }
0x23: {  	[sflag:s16] =	ssyncset.done $0x0  }
0x24: {  	[sflag:s16] =	ssyncadd.s32 $0xFFFFEC00  }
0x25: {  	[tilespmem:s17], [sflag:$0x4] =	stream.linear.gather [hbm4b:s7+s3], $0x1400, $0x38;
	[tilespmem:$0x1E100] =	vst v63  }
0x26: {  	_ =	swait.ge [sflag:s16], $0x1400  }
0x27: {  	[sflag:s16] =	ssyncset.done $0x0  }
0x28: {  	[sflag:s16] =	ssyncadd.s32 $0xFFFFEC00  }
0x29: {  	[tilespmem:s19], [sflag:$0x1] =	stream.indirect.gather [hbm4b:s4+s18], $0x80, s3, s18, $0xb8;
	[tilespmem:$0x1E100] =	vst v63  }
0x2a: {  	_ = 	snop  }
0x2b: {  	[tilespmem:s20], [sflag:$0x2] =	stream.indirect.gather [hbm4b:s4+s18], $0x80, s18, s18, $0xb8;
	[tilespmem:$0x1E100] =	vst v63  }
0x2c: {  	_ =	swait.ge [sflag:s21], $0x4000  }
0x2d: {  	[sflag:s21] =	ssyncset.done $0x0  }
0x2e: {  	s28 =	simm.s32 $0x1400;
	[sflag:s21] =	ssyncadd.s32 $0xFFFFC000  }
0x2f: {  	[spmem:s2] =	stream.indirect.scatter.add.f32 [tilespmem:s19], [sflag:$0x3], $0x80, s28, s18, $0xb8;
	[tilespmem:$0x1E100] =	vst v63  }
0x30: {  	_ =	swait.ge [sflag:s22], $0x4000  }
0x31: {  	[sflag:s22] =	ssyncset.done $0x0  }
0x32: {  	s28 =	simm.s32 $0x100;
	[sflag:s22] =	ssyncadd.s32 $0xFFFFC000  }
0x33: {  	[tilespmem:s19], [sflag:$0x1] =	stream.indirect.gather [hbm4b:s4+s18], $0x80, s28, s18, $0xb8;
	[tilespmem:$0x1E100] =	vst v63  }
0x34: {  	_ =	swait.ge [sflag:s23], $0x4000  }
0x35: {  	[sflag:s23] =	ssyncset.done $0x0  }
0x36: {  	s28 =	simm.s32 $0x1480;
	[sflag:s23] =	ssyncadd.s32 $0xFFFFC000  }
0x37: {  	[spmem:s2] =	stream.indirect.scatter.add.f32 [tilespmem:s20], [sflag:$0x3], $0x80, s28, s18, $0xb8;
	[tilespmem:$0x1E100] =	vst v63  }
0x38: {  	_ =	swait.ge [sflag:s22], $0x4000  }
0x39: {  	[sflag:s22] =	ssyncset.done $0x0  }
0x3a: {  	s29 =	simm.s32 $0x180;
	s28 =	simm.s32 $0x400;
	[sflag:s22] =	ssyncadd.s32 $0xFFFFC000  }
.LBB2_2:
0x3b: {  	[tilespmem:s20], [sflag:$0x2] =	stream.indirect.gather [hbm4b:s4+s18], $0x80, s29, s18, $0xb8;
	[tilespmem:$0x1E100] =	vst v63  }
0x3c: {  	s29 =	smov.u32 s28  }
0x3d: {  	p1 =	sne.s32 s28, $0x4800;
	s28 =	sadd.s32 $0x400, s28;
	_ =	swait.ge [sflag:s21], $0x4000  }
0x3e: {  	s29 =	sshra.s32 s29, $0x2;
	[sflag:s21] =	ssyncset.done $0x0  }
0x3f: {  	s30 =	sadd.s32 $0x1400, s29;
	[sflag:s21] =	ssyncadd.s32 $0xFFFFC000  }
0x40: {  	[spmem:s2] =	stream.indirect.scatter.add.f32 [tilespmem:s19], [sflag:$0x3], $0x80, s30, s18, $0xb8;
	[tilespmem:$0x1E100] =	vst v63  }
0x41: {  	_ =	swait.ge [sflag:s22], $0x4000  }
0x42: {  	[sflag:s22] =	ssyncset.done $0x0  }
0x43: {  	s30 =	sadd.s32 $0x100, s29;
	[sflag:s22] =	ssyncadd.s32 $0xFFFFC000  }
0x44: {  	[tilespmem:s19], [sflag:$0x1] =	stream.indirect.gather [hbm4b:s4+s18], $0x80, s30, s18, $0xb8;
	[tilespmem:$0x1E100] =	vst v63  }
0x45: {  	_ =	swait.ge [sflag:s23], $0x4000  }
0x46: {  	[sflag:s23] =	ssyncset.done $0x0  }
.Ltmp0:
0x47: {  	s30 =	sadd.s32 $0x1480, s29;
	[sflag:s23] =	ssyncadd.s32 $0xFFFFC000;
	(pc) =	sbr.rel @p1 .LBB2_2-.Ltmp0, $4  }
0x48: {  	[spmem:s2] =	stream.indirect.scatter.add.f32 [tilespmem:s20], [sflag:$0x3], $0x80, s30, s18, $0xb8;
	[tilespmem:$0x1E100] =	vst v63  }
0x49: {  	_ =	swait.ge [sflag:s22], $0x4000  }
0x4a: {  	[sflag:s22] =	ssyncset.done $0x0  }
0x4b: {  	s29 =	sadd.s32 $0x180, s29;
	[sflag:s22] =	ssyncadd.s32 $0xFFFFC000  }
0x4c: {  	[tilespmem:s20], [sflag:$0x2] =	stream.indirect.gather [hbm4b:s4+s18], $0x80, s29, s18, $0xb8;
	[tilespmem:$0x1E100] =	vst v63  }
0x4d: {  	_ =	swait.ge [sflag:s21], $0x4000  }
0x4e: {  	[sflag:s21] =	ssyncset.done $0x0  }
0x4f: {  	[sflag:s21] =	ssyncadd.s32 $0xFFFFC000  }
0x50: {  	[spmem:s2] =	stream.indirect.scatter.add.f32 [tilespmem:s19], [sflag:$0x3], $0x80, s24, s18, $0xb8;
	[tilespmem:$0x1E100] =	vst v63  }
0x51: {  	_ =	swait.ge [sflag:s22], $0x4000  }
0x52: {  	[sflag:s22] =	ssyncset.done $0x0  }
0x53: {  	[sflag:s22] =	ssyncadd.s32 $0xFFFFC000  }
0x54: {  	_ =	swait.ge [sflag:s23], $0x4000  }
0x55: {  	[sflag:s23] =	ssyncset.done $0x0  }
0x56: {  	[sflag:s23] =	ssyncadd.s32 $0xFFFFC000  }
0x57: {  	[spmem:s2] =	stream.indirect.scatter.add.f32 [tilespmem:s20], [sflag:$0x3], $0x80, s25, s18, $0xb8;
	[tilespmem:$0x1E100] =	vst v63  }
0x58: {  	_ =	swait.ge [sflag:s22], $0x4000  }
0x59: {  	[sflag:s22] =	ssyncset.done $0x0  }
0x5a: {  	s28 =	simm.s32 $0x0;
	[sflag:s22] =	ssyncadd.s32 $0xFFFFC000  }
0x5b: {  	[tilespmem:s28], [sflag:$0x4] =	stream.linear.gather [hbm4b:s8+s28], $0x1400, $0x38;
	[tilespmem:$0x1E100] =	vst v63  }
0x5c: {  	_ =	swait.ge [sflag:s16], $0x1400  }
0x5d: {  	[sflag:s16] =	ssyncset.done $0x0  }
0x5e: {  	[sflag:s16] =	ssyncadd.s32 $0xFFFFEC00  }
0x5f: {  	[tilespmem:s17], [sflag:$0x4] =	stream.linear.gather [hbm4b:s9+s28], $0x1400, $0x38;
	[tilespmem:$0x1E100] =	vst v63  }
0x60: {  	_ =	swait.ge [sflag:s16], $0x1400  }
0x61: {  	[sflag:s16] =	ssyncset.done $0x0  }
0x62: {  	[sflag:s16] =	ssyncadd.s32 $0xFFFFEC00  }
0x63: {  	[tilespmem:s19], [sflag:$0x1] =	stream.indirect.gather [hbm4b:s4+s18], $0x80, s28, s18, $0xb8;
	[tilespmem:$0x1E100] =	vst v63  }
0x64: {  	_ = 	snop  }
0x65: {  	[tilespmem:s20], [sflag:$0x2] =	stream.indirect.gather [hbm4b:s4+s18], $0x80, s18, s18, $0xb8;
	[tilespmem:$0x1E100] =	vst v63  }
0x66: {  	_ =	swait.ge [sflag:s21], $0x4000  }
0x67: {  	[sflag:s21] =	ssyncset.done $0x0  }
0x68: {  	s28 =	simm.s32 $0x1400;
	[sflag:s21] =	ssyncadd.s32 $0xFFFFC000  }
0x69: {  	[spmem:s2] =	stream.indirect.scatter.add.f32 [tilespmem:s19], [sflag:$0x3], $0x80, s28, s18, $0xb8;
	[tilespmem:$0x1E100] =	vst v63  }
0x6a: {  	_ =	swait.ge [sflag:s22], $0x4000  }
0x6b: {  	[sflag:s22] =	ssyncset.done $0x0  }
0x6c: {  	s28 =	simm.s32 $0x100;
	[sflag:s22] =	ssyncadd.s32 $0xFFFFC000  }
0x6d: {  	[tilespmem:s19], [sflag:$0x1] =	stream.indirect.gather [hbm4b:s4+s18], $0x80, s28, s18, $0xb8;
	[tilespmem:$0x1E100] =	vst v63  }
0x6e: {  	_ =	swait.ge [sflag:s23], $0x4000  }
0x6f: {  	[sflag:s23] =	ssyncset.done $0x0  }
0x70: {  	s28 =	simm.s32 $0x1480;
	[sflag:s23] =	ssyncadd.s32 $0xFFFFC000  }
0x71: {  	[spmem:s2] =	stream.indirect.scatter.add.f32 [tilespmem:s20], [sflag:$0x3], $0x80, s28, s18, $0xb8;
	[tilespmem:$0x1E100] =	vst v63  }
0x72: {  	_ =	swait.ge [sflag:s22], $0x4000  }
0x73: {  	[sflag:s22] =	ssyncset.done $0x0  }
0x74: {  	s29 =	simm.s32 $0x180;
	s28 =	simm.s32 $0x400;
	[sflag:s22] =	ssyncadd.s32 $0xFFFFC000  }
.LBB2_4:
0x75: {  	[tilespmem:s20], [sflag:$0x2] =	stream.indirect.gather [hbm4b:s4+s18], $0x80, s29, s18, $0xb8;
	[tilespmem:$0x1E100] =	vst v63  }
0x76: {  	s29 =	smov.u32 s28  }
0x77: {  	p1 =	sne.s32 s28, $0x4800;
	s28 =	sadd.s32 $0x400, s28;
	_ =	swait.ge [sflag:s21], $0x4000  }
0x78: {  	s29 =	sshra.s32 s29, $0x2;
	[sflag:s21] =	ssyncset.done $0x0  }
0x79: {  	s30 =	sadd.s32 $0x1400, s29;
	[sflag:s21] =	ssyncadd.s32 $0xFFFFC000  }
0x7a: {  	[spmem:s2] =	stream.indirect.scatter.add.f32 [tilespmem:s19], [sflag:$0x3], $0x80, s30, s18, $0xb8;
	[tilespmem:$0x1E100] =	vst v63  }
0x7b: {  	_ =	swait.ge [sflag:s22], $0x4000  }
0x7c: {  	[sflag:s22] =	ssyncset.done $0x0  }
0x7d: {  	s30 =	sadd.s32 $0x100, s29;
	[sflag:s22] =	ssyncadd.s32 $0xFFFFC000  }
0x7e: {  	[tilespmem:s19], [sflag:$0x1] =	stream.indirect.gather [hbm4b:s4+s18], $0x80, s30, s18, $0xb8;
	[tilespmem:$0x1E100] =	vst v63  }
0x7f: {  	_ =	swait.ge [sflag:s23], $0x4000  }
0x80: {  	[sflag:s23] =	ssyncset.done $0x0  }
.Ltmp1:
0x81: {  	s30 =	sadd.s32 $0x1480, s29;
	[sflag:s23] =	ssyncadd.s32 $0xFFFFC000;
	(pc) =	sbr.rel @p1 .LBB2_4-.Ltmp1, $4  }
0x82: {  	[spmem:s2] =	stream.indirect.scatter.add.f32 [tilespmem:s20], [sflag:$0x3], $0x80, s30, s18, $0xb8;
	[tilespmem:$0x1E100] =	vst v63  }
0x83: {  	_ =	swait.ge [sflag:s22], $0x4000  }
0x84: {  	[sflag:s22] =	ssyncset.done $0x0  }
0x85: {  	s29 =	sadd.s32 $0x180, s29;
	[sflag:s22] =	ssyncadd.s32 $0xFFFFC000  }
0x86: {  	[tilespmem:s20], [sflag:$0x2] =	stream.indirect.gather [hbm4b:s4+s18], $0x80, s29, s18, $0xb8;
	[tilespmem:$0x1E100] =	vst v63  }
0x87: {  	_ =	swait.ge [sflag:s21], $0x4000  }
0x88: {  	[sflag:s21] =	ssyncset.done $0x0  }
0x89: {  	[sflag:s21] =	ssyncadd.s32 $0xFFFFC000  }
0x8a: {  	[spmem:s2] =	stream.indirect.scatter.add.f32 [tilespmem:s19], [sflag:$0x3], $0x80, s24, s18, $0xb8;
	[tilespmem:$0x1E100] =	vst v63  }
0x8b: {  	_ =	swait.ge [sflag:s22], $0x4000  }
0x8c: {  	[sflag:s22] =	ssyncset.done $0x0  }
0x8d: {  	[sflag:s22] =	ssyncadd.s32 $0xFFFFC000  }
0x8e: {  	_ =	swait.ge [sflag:s23], $0x4000  }
0x8f: {  	[sflag:s23] =	ssyncset.done $0x0  }
0x90: {  	[sflag:s23] =	ssyncadd.s32 $0xFFFFC000  }
0x91: {  	[spmem:s2] =	stream.indirect.scatter.add.f32 [tilespmem:s20], [sflag:$0x3], $0x80, s25, s18, $0xb8;
	[tilespmem:$0x1E100] =	vst v63  }
0x92: {  	_ =	swait.ge [sflag:s22], $0x4000  }
0x93: {  	[sflag:s22] =	ssyncset.done $0x0  }
0x94: {  	[sflag:s22] =	ssyncadd.s32 $0xFFFFC000  }
0x95: {  	s28 =	simm.s32 @p0 $0x1FC4;
	[bflag:$0x0] =	sbarrier.arrive $0xFFFF  }
0x96: {  	[hbm:s11], [sflag:s28] =	dma.local @p0 [spmem:s13], $0x1900  }
0x97: {  	s28 =	simm.s32 @p0 $0x4  }
0x98: {  	s26 =	sadd.s32 $0x1, s26;
	_ =	swait.ge @p0 [sflag:s28], $0x1900  }
0x99: {  	p1 =	sne.s32 s26, s12;
	[sflag:s28] =	ssyncset.done @p0 $0x0  }
.Ltmp2:
0x9a: {  	[sflag:s28] =	ssyncadd.s32 @p0 $0xFFFFE700;
	s28 =	simm.s32 @!p0 $0x4;
	(pc) =	sbr.rel @p1 .LBB2_1-.Ltmp2, $4  }
0x9b: {  	[hbm:s10], [sflag:s14] =	dma.local @!p0 [spmem:s15], $0x2800  }
0x9c: {  	_ =	swait.ge @!p0 [sflag:s28], $0x2800  }
0x9d: {  	[sflag:s28] =	ssyncset.done @!p0 $0x0  }
0x9e: {  	[sflag:s28] =	ssyncadd.s32 @!p0 $0xFFFFD800  }
0x9f: {  	_ =	sfence.sel $0x180000  }
0xa0: {  	[bflag:$0x0] =	sbarrier.arrive $0xFFFF  }
0xa1: {  	p0 =	sne.s32 s0, $0x0;
	_ =	strace $0x90000047  }
0xa2: {  	s0 =	sadd.s32 @!p0 $0x100000, s1;
	[bflag:$0x2] =	sbarrier.arrive $0xFFFF  }
0xa3: {  	[sflag:s0] =	ssyncadd.tile.s32 @!p0 $0x1;
	_ =	shalt  }
.Lfunc_end2:
_tile_overlayer_lowered:
.L_overlay_start_2:
0xa4: {  	(tag) =	ssettag $0x2  }
0xa5: {  	s0 =	rddreg [dreg:$0x0];
	s2 =	stileid.u32  }
0xa6: {  	s1 =	rddreg [dreg:$0x1];
	p0 =	sne.s32 s2, $0x0  }
0xa7: {  	s3 =	rddreg [dreg:$0x2];
	[bflag:$0x3] =	sbarrier.arrive $0xFFFF;
	s2 =	simm.s32 @!p0 $0x1C04  }
0xa8: {  	[timem:s3], [sflag:s2] =	dma.local @!p0 [hbm:s0], s1  }
0xa9: {  	s0 =	simm.s32 @!p0 $0x4  }
0xaa: {  	_ =	swait.ge @!p0 [sflag:s0], s1  }
0xab: {  	s1 =	ssub.s32 @!p0 $0x0, s1;
	[sflag:s0] =	ssyncset.done @!p0 $0x0  }
0xac: {  	[sflag:s0] =	ssyncadd.s32 @!p0 s1  }
0xad: {  	[bflag:$0x3] =	sbarrier.arrive $0xFFFF  }
0xae: {  	_ =	shalt  }

</sc_bundles>
